<compile_context>
chip_gen: v7x
topology: tpu7x:2x2x1
jax: 0.10.2.dev20260603
libtpu: 0.0.44.dev20260713+nightly
codegen_flags: <defaults>
</compile_context>

<pallas_src>
import functools

import jax
import jax.numpy as jnp
from jax import lax
from jax.experimental import pallas as pl
from jax.experimental.pallas import tpu as pltpu
from jax.experimental.pallas import tpu_sc as plsc

H = 260
W = 346
S = 16
NEV = 1000000
BN = 4
NPB = NEV // BN
CE = 10000
NCH = NPB // CE
HWPAD = 89968
HH = H // 2
WH = W // 2
NHALF = HH * WH
NHPAD = 22496
BIG = 4 * NHPAD
NUNITS = BN * S + BN
NTILES = 32


def _sc_body(x_hbm, y_hbm, t_hbm, tmax_hbm, dil_hbm, stats_hbm,
             big, evx, evy, evt, tmv):
    pltpu.sync_copy(tmax_hbm, tmv)
    wid = lax.axis_index("s") * 2 + lax.axis_index("c")
    base_iota = lax.iota(jnp.int32, 16)
    zeros_i = jnp.zeros((16,), jnp.int32)
    ones_f = jnp.ones((16,), jnp.float32)

    def process_unit(u):
        def zbody(i, carry):
            big[pl.ds(i * 16, 16)] = jnp.zeros((16,), jnp.float32)
            return carry

        lax.fori_loop(0, BIG // 16, zbody, 0)

        is_dil = u < BN * S
        b = jnp.where(is_dil, u // S, u - BN * S)
        s = u % S
        tmax_splat = plsc.load_gather(tmv, [jnp.broadcast_to(b, (16,))])
        s_splat = zeros_i + s

        def chunk_body(c, carry):
            start = b * NPB + c * CE
            pltpu.sync_copy(x_hbm.at[pl.ds(start, CE)], evx)
            pltpu.sync_copy(y_hbm.at[pl.ds(start, CE)], evy)
            pltpu.sync_copy(t_hbm.at[pl.ds(start, CE)], evt)

            def grp(g, carry2):
                x = evx[pl.ds(g * 16, 16)]
                y = evy[pl.ds(g * 16, 16)]
                t = evt[pl.ds(g * 16, 16)]
                xi = x.astype(jnp.int32)
                yi = y.astype(jnp.int32)
                tn = t / tmax_splat
                ts = jnp.minimum((tn * float(S)).astype(jnp.int32), S - 1)

                @pl.when(is_dil)
                def _():
                    pidx = yi * W + xi
                    plsc.store_scatter(big, [pidx], ones_f,
                                       mask=(ts == s_splat))

                @pl.when(jnp.logical_not(is_dil))
                def _():
                    hidx = (yi >> 1) * WH + (xi >> 1)
                    sx = (1 - ((xi & 1) << 1)).astype(jnp.float32)
                    sy = (1 - ((yi & 1) << 1)).astype(jnp.float32)
                    plsc.addupdate_scatter(big, [hidx], sx)
                    plsc.addupdate_scatter(big, [hidx + NHPAD], sy)
                    plsc.addupdate_scatter(big, [hidx + 2 * NHPAD], tn)
                    plsc.addupdate_scatter(big, [hidx + 3 * NHPAD], ones_f)

                return carry2

            lax.fori_loop(0, CE // 16, grp, 0)
            return carry

        lax.fori_loop(0, NCH, chunk_body, 0)

        @pl.when(is_dil)
        def _():
            pltpu.sync_copy(big, dil_hbm.at[u])

        @pl.when(jnp.logical_not(is_dil))
        def _():
            pltpu.sync_copy(big, stats_hbm.at[u - BN * S])

    for k in range((NUNITS + NTILES - 1) // NTILES):
        u = wid + NTILES * k

        @pl.when(u < NUNITS)
        def _():
            process_unit(u)


_sc_scatter = functools.partial(
    pl.kernel,
    out_type=(
        jax.ShapeDtypeStruct((BN * S, BIG), jnp.float32),
        jax.ShapeDtypeStruct((BN, BIG), jnp.float32),
    ),
    mesh=plsc.VectorSubcoreMesh(core_axis_name="c", subcore_axis_name="s"),
    scratch_types=[
        pltpu.VMEM((BIG,), jnp.float32),
        pltpu.VMEM((CE,), jnp.float32),
        pltpu.VMEM((CE,), jnp.float32),
        pltpu.VMEM((CE,), jnp.float32),
        pltpu.VMEM((16,), jnp.float32),
    ],
    compiler_params=pltpu.CompilerParams(needs_layout_passes=False),
)(_sc_body)


def _tmax_body(t_ref, o_ref):
    o_ref[...] = jnp.max(t_ref[...], axis=1, keepdims=True)


def _erode_body(d_ref, o_ref, pad_ref):
    pad_ref[...] = jnp.zeros((H + 2, W + 2), jnp.float32)
    prev = d_ref[0, 0]
    o_ref[0, 0] = prev
    for i in range(1, S):
        cur = d_ref[0, i]
        mix = cur * (0.5 + (S - i) / S) + prev * (i / S)
        pad_ref[1:H + 1, 1:W + 1] = mix
        nsum = None
        for dy_off in range(3):
            for dx_off in range(3):
                if dy_off == 1 and dx_off == 1:
                    continue
                sl = pad_ref[dy_off:dy_off + H, dx_off:dx_off + W]
                nsum = sl if nsum is None else nsum + sl
        new = nsum * 0.125 - 0.25
        o_ref[0, i] = new
        prev = new


def kernel(events):
    t2 = events[:, 2].reshape(BN, NPB)
    tmax = pl.pallas_call(
        _tmax_body,
        out_shape=jax.ShapeDtypeStruct((BN, 1), jnp.float32),
    )(t2)
    tmax16 = jnp.concatenate([tmax[:, 0], jnp.ones((16 - BN,), jnp.float32)])

    dil_rows, stats_rows = _sc_scatter(
        events[:, 0], events[:, 1], events[:, 2], tmax16)

    dil = dil_rows[:, :H * W].reshape(BN, S, H, W)
    stats = stats_rows.reshape(BN, 4, NHPAD)[:, :, :NHALF]
    stats = stats.reshape(BN, 4, HH, WH)

    dil2 = pl.pallas_call(
        _erode_body,
        grid=(BN,),
        in_specs=[pl.BlockSpec((1, S, H, W), lambda b: (b, 0, 0, 0))],
        out_specs=pl.BlockSpec((1, S, H, W), lambda b: (b, 0, 0, 0)),
        out_shape=jax.ShapeDtypeStruct((BN, S, H, W), jnp.float32),
        scratch_shapes=[pltpu.VMEM((H + 2, W + 2), jnp.float32)],
    )(dil)

    counts = jnp.sum(dil2 <= 0, axis=(2, 3))
    best = jnp.argmax(counts, axis=1)
    best_dil = jnp.take_along_axis(
        dil2, best[:, None, None, None], axis=1)[:, 0][:, ::2, ::2]

    dx = stats[:, 0]
    dy = stats[:, 1]
    counter = stats[:, 3]
    divider = jnp.where(counter == 0, 1.0, counter)
    timer = stats[:, 2] / divider
    return jnp.stack([dx, dy, timer, counter, best_dil], axis=1)

# --- scband reference (transcript-rebuilt; emitter-appended) ---
"""Pipeline reference for scband-quantization-layer-17437567222232 (READ-ONLY COPY).

The authoritative reference and input builder live on the scoring server;
editing this copy changes nothing except your own understanding.
"""

import jax, jax.numpy as jnp
import numpy as np

H, W = 260, 346
S = 16
N = 1000000
B = 4


def _depthwise_conv(x, w):
    # x: (Bc, H, W); w: (Bc, 1, 3, 3); groups=Bc conv with padding=1 (matches F.conv2d groups=B)
    out = jax.lax.conv_general_dilated(
        x[None], w, window_strides=(1, 1), padding=((1, 1), (1, 1)),
        dimension_numbers=('NCHW', 'OIHW', 'NCHW'),
        feature_group_count=x.shape[0])
    return out[0]


def setup_inputs(seed: int = 0):
    key = jax.random.key(seed)
    kx, ky, kt, kp = jax.random.split(key, 4)
    x = jax.random.randint(kx, (N,), 0, W).astype(jnp.float32)
    y = jax.random.randint(ky, (N,), 0, H).astype(jnp.float32)
    t = jax.random.uniform(kt, (N,), minval=1e-3, maxval=1.0, dtype=jnp.float32)
    p = (jax.random.randint(kp, (N,), 0, 2) * 2 - 1).astype(jnp.float32)
    b = jnp.floor(jnp.arange(N, dtype=jnp.float32) * B / N)
    events = jnp.stack([x, y, t, p, b], axis=1)
    return {"events": events}


def _forward(events, Bn):
    x = events[:, 0]
    y = events[:, 1]
    t = events[:, 2]
    b = events[:, 4]
    bi = b.astype(jnp.int32)
    # per-batch time normalization: t[mask] /= t[mask].max()
    onehot = bi[:, None] == jnp.arange(Bn)[None, :]
    tmax = jnp.max(jnp.where(onehot, t[:, None], -jnp.inf), axis=0)
    t = t / tmax[bi]
    ts = (t * S).astype(jnp.int32)
    ts = jnp.where(ts == S, S - 1, ts)
    idx_dil = (x + W * y + (W * H) * ts.astype(jnp.float32) + (W * H * S) * b).astype(jnp.int32)
    dil = jnp.zeros(W * H * S * Bn, jnp.int32).at[idx_dil].set(1)
    dil = dil.reshape(Bn, S, H, W).astype(jnp.float32).transpose(1, 0, 2, 3)
    erode = (jnp.ones((Bn, 1, 3, 3), jnp.float32).at[:, :, 1, 1].set(0.0)) / 8.0
    d = dil
    for i in range(1, S):
        di = d[i] * (0.5 + (S - i) / S) + d[i - 1] * (i / S)
        di = _depthwise_conv(di, erode) - 0.25
        d = d.at[i].set(di)
    dil = d.transpose(1, 0, 2, 3)  # (B, S, H, W)
    limiter = (dil > 0).reshape(Bn, S, -1)
    non_zero = (~limiter).sum(axis=-1)
    best_idx = jnp.argmax(non_zero, axis=-1)
    best_dil = jnp.take_along_axis(dil, best_idx[:, None, None, None], axis=1)[:, 0]
    idx_cont = (x + W * y + (W * H) * b).astype(jnp.int32)
    container = jnp.zeros(W * H * Bn, jnp.int32).at[idx_cont].add(1).reshape(Bn, H, W)
    idx_cnt = (jnp.floor(x / 2) + (W // 2) * jnp.floor(y / 2) + jnp.floor(W * H * b / 4)).astype(jnp.int32)
    ncnt = (H // 2) * (W // 2) * Bn
    counter = jnp.zeros(ncnt, jnp.int32).at[idx_cnt].add(1).astype(jnp.float32)
    divider = jnp.where(counter == 0, 1.0, counter)
    timer = jnp.zeros(ncnt, jnp.float32).at[idx_cnt].add(t)
    timer = timer / divider
    counter = counter.reshape(Bn, H // 2, W // 2)
    timer = timer.reshape(Bn, H // 2, W // 2)
    dy = container[:, ::2] - container[:, 1::2]
    dy = (dy[:, :, ::2] + dy[:, :, 1::2]).astype(jnp.float32)
    dx = container[:, :, ::2] - container[:, :, 1::2]
    dx = (dx[:, 1::2] + dx[:, ::2]).astype(jnp.float32)
    best_dil = best_dil[:, ::2, ::2]  # F.interpolate(scale_factor=0.5, mode='nearest')
    vox = jnp.stack([dx, dy, timer, counter, best_dil], axis=1)
    return vox


def reference(events):
    Bn = B
    return _forward(events, Bn)

if __name__ == "__main__":
    import jax
    _d = setup_inputs()
    print(jax.jit(kernel)(*tuple(_d.values())))

</pallas_src>

<mosaic_0001>
#map = affine_map<(d0, d1) -> (0)>
#map1 = affine_map<(d0, d1) -> (0, 0)>
module attributes {stable_mosaic.version = 14 : i64} {
  func.func @_sc_body(%arg0: i32, %arg1: i32, %arg2: memref<1000000xf32, #tpu.memory_space<hbm>>, %arg3: memref<1000000xf32, #tpu.memory_space<hbm>>, %arg4: memref<1000000xf32, #tpu.memory_space<hbm>>, %arg5: memref<16xf32, #tpu.memory_space<hbm>>, %arg6: memref<64x89984xf32, #tpu.memory_space<hbm>>, %arg7: memref<4x89984xf32, #tpu.memory_space<hbm>>, %arg8: memref<89984xf32, #tpu.memory_space<vmem>>, %arg9: memref<10000xf32, #tpu.memory_space<vmem>>, %arg10: memref<10000xf32, #tpu.memory_space<vmem>>, %arg11: memref<10000xf32, #tpu.memory_space<vmem>>, %arg12: memref<16xf32, #tpu.memory_space<vmem>>) attributes {dimension_semantics = [#tpu.dimension_semantics<core_parallel>, #tpu.dimension_semantics<subcore_parallel>], iteration_bounds = array<i64: 2, 16>, scalar_prefetch = 0 : i64, scratch_operands = 5 : i64, tpu.core_type = #tpu.core_type<sc_vector_subcore>, window_params = [{transform_indices = #map}, {transform_indices = #map}, {transform_indices = #map}, {transform_indices = #map}, {transform_indices = #map1}, {transform_indices = #map1}]} {
    "tpu.region"() ({
      %run_scoped3A = tpu.sem_alloc : memref<!tpu.dma_semaphore, #tpu.memory_space<semaphore_mem>>
      tpu.enqueue_dma source(%arg5 : memref<16xf32, #tpu.memory_space<hbm>>) target(%arg12 : memref<16xf32, #tpu.memory_space<vmem>>) target_semaphore(%run_scoped3A : memref<!tpu.dma_semaphore, #tpu.memory_space<semaphore_mem>>)
      tpu.wait_dma2 semaphore(%run_scoped3A : memref<!tpu.dma_semaphore, #tpu.memory_space<semaphore_mem>>) src(%arg5 : memref<16xf32, #tpu.memory_space<hbm>>) dst(%arg12 : memref<16xf32, #tpu.memory_space<vmem>>)
      tpu.yield
    }) : () -> ()
    %mul3A = arith.constant 2 : i32
    %mul3A_0 = arith.muli %arg1, %mul3A : i32
    %add3A = arith.addi %mul3A_0, %arg0 : i32
    %iota3A = tpu.iota {dimensions = array<i32: 0>} : vector<16xi32>
    %broadcast_in_dim3A = arith.constant 0 : i32
    %broadcast_in_dim3A_1 = vector.broadcast %broadcast_in_dim3A : i32 to vector<16xi32>
    %broadcast_in_dim3A_2 = arith.constant 1.000000e+00 : f32
    %broadcast_in_dim3A_3 = vector.broadcast %broadcast_in_dim3A_2 : f32 to vector<16xf32>
    %add3A_4 = arith.constant 0 : i32
    %add3A_5 = arith.addi %add3A, %add3A_4 : i32
    %lt3A = arith.constant 68 : i32
    %lt3A_6 = arith.cmpi slt, %add3A_5, %lt3A : i32
    %convert_element_type3A = arith.extui %lt3A_6 : i1 to i32
    %cond3A = arith.constant 0 : i32
    %cond3A_7 = arith.cmpi ne, %convert_element_type3A, %cond3A : i32
    scf.if %cond3A_7 {
      %scan3A = arith.constant 0 : i32
      %scan3A_22 = arith.constant 0 : i32
      %scan3A_23 = arith.constant 5624 : i32
      %scan3A_24 = arith.addi %scan3A_22, %scan3A_23 : i32
      %scan3A_25 = arith.constant 1 : i32
      scf.for %scan3A_79 = %scan3A_22 to %scan3A_24 step %scan3A_25  : i32 {
        %broadcast_in_dim3A_80 = arith.constant 0.000000e+00 : f32
        %broadcast_in_dim3A_81 = vector.broadcast %broadcast_in_dim3A_80 : f32 to vector<16xf32>
        %mul3A_82 = arith.constant 16 : i32
        %mul3A_83 = arith.muli %scan3A_79, %mul3A_82 : i32
        %swap3A = arith.index_cast %mul3A_83 : i32 to index
        %swap3A_84 = tpu.vector_load %arg8[%swap3A] {strides = array<i32>} : memref<89984xf32, #tpu.memory_space<vmem>>, vector<16xf32>,
        tpu.vector_store %arg8[%swap3A], %broadcast_in_dim3A_81 {strides = array<i32>} : memref<89984xf32, #tpu.memory_space<vmem>>, vector<16xf32>,
      }
      %scan3A_26 = arith.constant 5624 : i32
      %lt3A_27 = arith.constant 64 : i32
      %lt3A_28 = arith.cmpi slt, %add3A_5, %lt3A_27 : i32
      %jit3A = arith.constant 16 : i32
      %div3A = arith.divsi %add3A_5, %jit3A : i32
      %sign3A = arith.constant 0 : i32
      %sign3A_29 = arith.cmpi sgt, %add3A_5, %sign3A : i32
      %sign3A_30 = arith.extui %sign3A_29 : i1 to i32
      %sign3A_31 = arith.constant 0 : i32
      %sign3A_32 = arith.cmpi slt, %add3A_5, %sign3A_31 : i32
      %sign3A_33 = arith.extui %sign3A_32 : i1 to i32
      %sign3A_34 = arith.subi %sign3A_30, %sign3A_33 : i32
      %sign3A_35 = arith.constant 0 : i32
      %sign3A_36 = arith.cmpi sgt, %jit3A, %sign3A_35 : i32
      %sign3A_37 = arith.extui %sign3A_36 : i1 to i32
      %sign3A_38 = arith.constant 0 : i32
      %sign3A_39 = arith.cmpi slt, %jit3A, %sign3A_38 : i32
      %sign3A_40 = arith.extui %sign3A_39 : i1 to i32
      %sign3A_41 = arith.subi %sign3A_37, %sign3A_40 : i32
      %ne3A = arith.cmpi ne, %sign3A_34, %sign3A_41 : i32
      %rem3A = arith.remsi %add3A_5, %jit3A : i32
      %ne3A_42 = arith.constant 0 : i32
      %ne3A_43 = arith.cmpi ne, %rem3A, %ne3A_42 : i32
      %and3A = arith.andi %ne3A, %ne3A_43 : i1
      %sub3A = arith.constant 1 : i32
      %sub3A_44 = arith.subi %div3A, %sub3A : i32
      %select_n3A = arith.select %and3A, %sub3A_44, %div3A : i32
      %sub3A_45 = arith.constant 64 : i32
      %sub3A_46 = arith.subi %add3A_5, %sub3A_45 : i32
      %select_n3A_47 = arith.select %lt3A_28, %select_n3A, %sub3A_46 : i32
      %jit3A_48 = arith.constant 16 : i32
      %eq3A = arith.constant 0 : i32
      %eq3A_49 = arith.cmpi eq, %jit3A_48, %eq3A : i32
      %jit3A_50 = arith.constant 1 : i32
      %select_n3A_51 = arith.select %eq3A_49, %jit3A_50, %jit3A_48 : i32
      %rem3A_52 = arith.remsi %add3A_5, %select_n3A_51 : i32
      %ne3A_53 = arith.constant 0 : i32
      %ne3A_54 = arith.cmpi ne, %rem3A_52, %ne3A_53 : i32
      %lt3A_55 = arith.constant 0 : i32
      %lt3A_56 = arith.cmpi slt, %rem3A_52, %lt3A_55 : i32
      %lt3A_57 = arith.constant 0 : i32
      %lt3A_58 = arith.cmpi slt, %select_n3A_51, %lt3A_57 : i32
      %ne3A_59 = arith.xori %lt3A_56, %lt3A_58 : i1
      %and3A_60 = arith.andi %ne3A_59, %ne3A_54 : i1
      %add3A_61 = arith.addi %rem3A_52, %select_n3A_51 : i32
      %select_n3A_62 = arith.select %and3A_60, %add3A_61, %rem3A_52 : i32
      %broadcast_in_dim3A_63 = vector.broadcast %select_n3A_47 : i32 to vector<16xi32>
      %gather3A = tpu.vector_load_idx %arg12[%broadcast_in_dim3A_63] : memref<16xf32, #tpu.memory_space<vmem>>[vector<16xi32>], vector<16xf32>,
      %add3A_64 = vector.broadcast %select_n3A_62 : i32 to vector<16xi32>
      %add3A_65 = arith.addi %broadcast_in_dim3A_1, %add3A_64 : vector<16xi32>
      %scan3A_66 = arith.constant 0 : i32
      %scan3A_67 = arith.constant 0 : i32
      %scan3A_68 = arith.constant 25 : i32
      %scan3A_69 = arith.addi %scan3A_67, %scan3A_68 : i32
      %scan3A_70 = arith.constant 1 : i32
      scf.for %scan3A_79 = %scan3A_67 to %scan3A_69 step %scan3A_70  : i32 {
        %mul3A_80 = arith.constant 250000 : i32
        %mul3A_81 = arith.muli %select_n3A_47, %mul3A_80 : i32
        %mul3A_82 = arith.constant 10000 : i32
        %mul3A_83 = arith.muli %scan3A_79, %mul3A_82 : i32
        %add3A_84 = arith.addi %mul3A_81, %mul3A_83 : i32
        "tpu.region"() ({
          %run_scoped3A = tpu.sem_alloc : memref<!tpu.dma_semaphore, #tpu.memory_space<semaphore_mem>>
          %dma_start3A = tpu.memref_slice %arg2[%add3A_84] : memref<1000000xf32, #tpu.memory_space<hbm>> -> memref<10000xf32, #tpu.memory_space<hbm>>
          %dma_start3A_91 = tpu.memref_slice %arg2[%add3A_84] : memref<1000000xf32, #tpu.memory_space<hbm>> -> memref<10000xf32, #tpu.memory_space<hbm>>
          tpu.enqueue_dma source(%dma_start3A_91 : memref<10000xf32, #tpu.memory_space<hbm>>) target(%arg9 : memref<10000xf32, #tpu.memory_space<vmem>>) target_semaphore(%run_scoped3A : memref<!tpu.dma_semaphore, #tpu.memory_space<semaphore_mem>>)
          %dma_wait3A = tpu.memref_slice %arg2[%add3A_84] : memref<1000000xf32, #tpu.memory_space<hbm>> -> memref<10000xf32, #tpu.memory_space<hbm>>
          %dma_wait3A_92 = tpu.memref_slice %arg2[%add3A_84] : memref<1000000xf32, #tpu.memory_space<hbm>> -> memref<10000xf32, #tpu.memory_space<hbm>>
          tpu.wait_dma2 semaphore(%run_scoped3A : memref<!tpu.dma_semaphore, #tpu.memory_space<semaphore_mem>>) src(%dma_wait3A_92 : memref<10000xf32, #tpu.memory_space<hbm>>) dst(%arg9 : memref<10000xf32, #tpu.memory_space<vmem>>)
          tpu.yield
        }) : () -> ()
        "tpu.region"() ({
          %run_scoped3A = tpu.sem_alloc : memref<!tpu.dma_semaphore, #tpu.memory_space<semaphore_mem>>
          %dma_start3A = tpu.memref_slice %arg3[%add3A_84] : memref<1000000xf32, #tpu.memory_space<hbm>> -> memref<10000xf32, #tpu.memory_space<hbm>>
          %dma_start3A_91 = tpu.memref_slice %arg3[%add3A_84] : memref<1000000xf32, #tpu.memory_space<hbm>> -> memref<10000xf32, #tpu.memory_space<hbm>>
          tpu.enqueue_dma source(%dma_start3A_91 : memref<10000xf32, #tpu.memory_space<hbm>>) target(%arg10 : memref<10000xf32, #tpu.memory_space<vmem>>) target_semaphore(%run_scoped3A : memref<!tpu.dma_semaphore, #tpu.memory_space<semaphore_mem>>)
          %dma_wait3A = tpu.memref_slice %arg3[%add3A_84] : memref<1000000xf32, #tpu.memory_space<hbm>> -> memref<10000xf32, #tpu.memory_space<hbm>>
          %dma_wait3A_92 = tpu.memref_slice %arg3[%add3A_84] : memref<1000000xf32, #tpu.memory_space<hbm>> -> memref<10000xf32, #tpu.memory_space<hbm>>
          tpu.wait_dma2 semaphore(%run_scoped3A : memref<!tpu.dma_semaphore, #tpu.memory_space<semaphore_mem>>) src(%dma_wait3A_92 : memref<10000xf32, #tpu.memory_space<hbm>>) dst(%arg10 : memref<10000xf32, #tpu.memory_space<vmem>>)
          tpu.yield
        }) : () -> ()
        "tpu.region"() ({
          %run_scoped3A = tpu.sem_alloc : memref<!tpu.dma_semaphore, #tpu.memory_space<semaphore_mem>>
          %dma_start3A = tpu.memref_slice %arg4[%add3A_84] : memref<1000000xf32, #tpu.memory_space<hbm>> -> memref<10000xf32, #tpu.memory_space<hbm>>
          %dma_start3A_91 = tpu.memref_slice %arg4[%add3A_84] : memref<1000000xf32, #tpu.memory_space<hbm>> -> memref<10000xf32, #tpu.memory_space<hbm>>
          tpu.enqueue_dma source(%dma_start3A_91 : memref<10000xf32, #tpu.memory_space<hbm>>) target(%arg11 : memref<10000xf32, #tpu.memory_space<vmem>>) target_semaphore(%run_scoped3A : memref<!tpu.dma_semaphore, #tpu.memory_space<semaphore_mem>>)
          %dma_wait3A = tpu.memref_slice %arg4[%add3A_84] : memref<1000000xf32, #tpu.memory_space<hbm>> -> memref<10000xf32, #tpu.memory_space<hbm>>
          %dma_wait3A_92 = tpu.memref_slice %arg4[%add3A_84] : memref<1000000xf32, #tpu.memory_space<hbm>> -> memref<10000xf32, #tpu.memory_space<hbm>>
          tpu.wait_dma2 semaphore(%run_scoped3A : memref<!tpu.dma_semaphore, #tpu.memory_space<semaphore_mem>>) src(%dma_wait3A_92 : memref<10000xf32, #tpu.memory_space<hbm>>) dst(%arg11 : memref<10000xf32, #tpu.memory_space<vmem>>)
          tpu.yield
        }) : () -> ()
        %scan3A_85 = arith.constant 0 : i32
        %scan3A_86 = arith.constant 0 : i32
        %scan3A_87 = arith.constant 625 : i32
        %scan3A_88 = arith.addi %scan3A_86, %scan3A_87 : i32
        %scan3A_89 = arith.constant 1 : i32
        scf.for %scan3A_91 = %scan3A_86 to %scan3A_88 step %scan3A_89  : i32 {
          %mul3A_92 = arith.constant 16 : i32
          %mul3A_93 = arith.muli %scan3A_91, %mul3A_92 : i32
          %get3A = arith.index_cast %mul3A_93 : i32 to index
          %get3A_94 = tpu.vector_load %arg9[%get3A] {strides = array<i32>} : memref<10000xf32, #tpu.memory_space<vmem>>, vector<16xf32>,
          %mul3A_95 = arith.constant 16 : i32
          %mul3A_96 = arith.muli %scan3A_91, %mul3A_95 : i32
          %get3A_97 = arith.index_cast %mul3A_96 : i32 to index
          %get3A_98 = tpu.vector_load %arg10[%get3A_97] {strides = array<i32>} : memref<10000xf32, #tpu.memory_space<vmem>>, vector<16xf32>,
          %mul3A_99 = arith.constant 16 : i32
          %mul3A_100 = arith.muli %scan3A_91, %mul3A_99 : i32
          %get3A_101 = arith.index_cast %mul3A_100 : i32 to index
          %get3A_102 = tpu.vector_load %arg11[%get3A_101] {strides = array<i32>} : memref<10000xf32, #tpu.memory_space<vmem>>, vector<16xf32>,
          %convert_element_type3A_103 = arith.fptosi %get3A_94 : vector<16xf32> to vector<16xi32>
          %convert_element_type3A_104 = arith.fptosi %get3A_98 : vector<16xf32> to vector<16xi32>
          %div3A_105 = arith.divf %get3A_102, %gather3A : vector<16xf32>
          %mul3A_106 = arith.constant 1.600000e+01 : f32
          %mul3A_107 = vector.broadcast %mul3A_106 : f32 to vector<16xf32>
          %mul3A_108 = arith.mulf %div3A_105, %mul3A_107 : vector<16xf32>
          %convert_element_type3A_109 = arith.fptosi %mul3A_108 : vector<16xf32> to vector<16xi32>
          %min3A = arith.constant 15 : i32
          %min3A_110 = vector.broadcast %min3A : i32 to vector<16xi32>
          %min3A_111 = arith.minsi %convert_element_type3A_109, %min3A_110 : vector<16xi32>
          %convert_element_type3A_112 = arith.extui %lt3A_28 : i1 to i32
          %cond3A_113 = arith.constant 0 : i32
          %cond3A_114 = arith.cmpi ne, %convert_element_type3A_112, %cond3A_113 : i32
          scf.if %cond3A_114 {
            %mul3A_120 = arith.constant 346 : i32
            %mul3A_121 = vector.broadcast %mul3A_120 : i32 to vector<16xi32>
            %mul3A_122 = arith.muli %convert_element_type3A_104, %mul3A_121 : vector<16xi32>
            %add3A_123 = arith.addi %mul3A_122, %convert_element_type3A_103 : vector<16xi32>
            %eq3A_124 = arith.cmpi eq, %min3A_111, %add3A_65 : vector<16xi32>
            tpu.vector_store_idx %arg8[%add3A_123], %broadcast_in_dim3A_3 masked %eq3A_124 : memref<89984xf32, #tpu.memory_space<vmem>>[vector<16xi32>], vector<16xf32>, vector<16xi1>
          } else {
          }
          %not3A_115 = arith.constant true
          %not3A_116 = arith.xori %lt3A_28, %not3A_115 : i1
          %convert_element_type3A_117 = arith.extui %not3A_116 : i1 to i32
          %cond3A_118 = arith.constant 0 : i32
          %cond3A_119 = arith.cmpi ne, %convert_element_type3A_117, %cond3A_118 : i32
          scf.if %cond3A_119 {
            %shift_right_arithmetic3A = arith.constant 1 : i32
            %shift_right_arithmetic3A_120 = vector.broadcast %shift_right_arithmetic3A : i32 to vector<16xi32>
            %shift_right_arithmetic3A_121 = arith.shrsi %convert_element_type3A_104, %shift_right_arithmetic3A_120 : vector<16xi32>
            %mul3A_122 = arith.constant 173 : i32
            %mul3A_123 = vector.broadcast %mul3A_122 : i32 to vector<16xi32>
            %mul3A_124 = arith.muli %shift_right_arithmetic3A_121, %mul3A_123 : vector<16xi32>
            %shift_right_arithmetic3A_125 = arith.constant 1 : i32
            %shift_right_arithmetic3A_126 = vector.broadcast %shift_right_arithmetic3A_125 : i32 to vector<16xi32>
            %shift_right_arithmetic3A_127 = arith.shrsi %convert_element_type3A_103, %shift_right_arithmetic3A_126 : vector<16xi32>
            %add3A_128 = arith.addi %mul3A_124, %shift_right_arithmetic3A_127 : vector<16xi32>
            %and3A_129 = arith.constant 1 : i32
            %and3A_130 = vector.broadcast %and3A_129 : i32 to vector<16xi32>
            %and3A_131 = arith.andi %convert_element_type3A_103, %and3A_130 : vector<16xi32>
            %shift_left3A = arith.constant 1 : i32
            %shift_left3A_132 = vector.broadcast %shift_left3A : i32 to vector<16xi32>
            %shift_left3A_133 = arith.shli %and3A_131, %shift_left3A_132 : vector<16xi32>
            %sub3A_134 = arith.constant 1 : i32
            %sub3A_135 = vector.broadcast %sub3A_134 : i32 to vector<16xi32>
            %sub3A_136 = arith.subi %sub3A_135, %shift_left3A_133 : vector<16xi32>
            %convert_element_type3A_137 = arith.sitofp %sub3A_136 : vector<16xi32> to vector<16xf32>
            %and3A_138 = arith.constant 1 : i32
            %and3A_139 = vector.broadcast %and3A_138 : i32 to vector<16xi32>
            %and3A_140 = arith.andi %convert_element_type3A_104, %and3A_139 : vector<16xi32>
            %shift_left3A_141 = arith.constant 1 : i32
            %shift_left3A_142 = vector.broadcast %shift_left3A_141 : i32 to vector<16xi32>
            %shift_left3A_143 = arith.shli %and3A_140, %shift_left3A_142 : vector<16xi32>
            %sub3A_144 = arith.constant 1 : i32
            %sub3A_145 = vector.broadcast %sub3A_144 : i32 to vector<16xi32>
            %sub3A_146 = arith.subi %sub3A_145, %shift_left3A_143 : vector<16xi32>
            %convert_element_type3A_147 = arith.sitofp %sub3A_146 : vector<16xi32> to vector<16xf32>
            tpu.vector_store_idx %arg8[%add3A_128], %convert_element_type3A_137 {add = true} : memref<89984xf32, #tpu.memory_space<vmem>>[vector<16xi32>], vector<16xf32>,
            %add3A_148 = arith.constant 22496 : i32
            %add3A_149 = vector.broadcast %add3A_148 : i32 to vector<16xi32>
            %add3A_150 = arith.addi %add3A_128, %add3A_149 : vector<16xi32>
            tpu.vector_store_idx %arg8[%add3A_150], %convert_element_type3A_147 {add = true} : memref<89984xf32, #tpu.memory_space<vmem>>[vector<16xi32>], vector<16xf32>,
            %add3A_151 = arith.constant 44992 : i32
            %add3A_152 = vector.broadcast %add3A_151 : i32 to vector<16xi32>
            %add3A_153 = arith.addi %add3A_128, %add3A_152 : vector<16xi32>
            tpu.vector_store_idx %arg8[%add3A_153], %div3A_105 {add = true} : memref<89984xf32, #tpu.memory_space<vmem>>[vector<16xi32>], vector<16xf32>,
            %add3A_154 = arith.constant 67488 : i32
            %add3A_155 = vector.broadcast %add3A_154 : i32 to vector<16xi32>
            %add3A_156 = arith.addi %add3A_128, %add3A_155 : vector<16xi32>
            tpu.vector_store_idx %arg8[%add3A_156], %broadcast_in_dim3A_3 {add = true} : memref<89984xf32, #tpu.memory_space<vmem>>[vector<16xi32>], vector<16xf32>,
          } else {
          }
        }
        %scan3A_90 = arith.constant 625 : i32
      }
      %scan3A_71 = arith.constant 25 : i32
      %convert_element_type3A_72 = arith.extui %lt3A_28 : i1 to i32
      %cond3A_73 = arith.constant 0 : i32
      %cond3A_74 = arith.cmpi ne, %convert_element_type3A_72, %cond3A_73 : i32
      scf.if %cond3A_74 {
        "tpu.region"() ({
          %run_scoped3A = tpu.sem_alloc : memref<!tpu.dma_semaphore, #tpu.memory_space<semaphore_mem>>
          %dma_start3A = arith.constant 0 : i32
          %dma_start3A_79 = tpu.memref_slice %arg6[%add3A_5, %dma_start3A] : memref<64x89984xf32, #tpu.memory_space<hbm>> -> memref<1x89984xf32, #tpu.memory_space<hbm>>
          %dma_start3A_80 = tpu.memref_squeeze %dma_start3A_79 : memref<1x89984xf32, #tpu.memory_space<hbm>> -> memref<89984xf32, #tpu.memory_space<hbm>>
          %dma_start3A_81 = arith.constant 0 : i32
          %dma_start3A_82 = tpu.memref_slice %arg6[%add3A_5, %dma_start3A_81] : memref<64x89984xf32, #tpu.memory_space<hbm>> -> memref<1x89984xf32, #tpu.memory_space<hbm>>
          %dma_start3A_83 = tpu.memref_squeeze %dma_start3A_82 : memref<1x89984xf32, #tpu.memory_space<hbm>> -> memref<89984xf32, #tpu.memory_space<hbm>>
          tpu.enqueue_dma source(%arg8 : memref<89984xf32, #tpu.memory_space<vmem>>) target(%dma_start3A_83 : memref<89984xf32, #tpu.memory_space<hbm>>) target_semaphore(%run_scoped3A : memref<!tpu.dma_semaphore, #tpu.memory_space<semaphore_mem>>)
          %dma_wait3A = arith.constant 0 : i32
          %dma_wait3A_84 = tpu.memref_slice %arg6[%add3A_5, %dma_wait3A] : memref<64x89984xf32, #tpu.memory_space<hbm>> -> memref<1x89984xf32, #tpu.memory_space<hbm>>
          %dma_wait3A_85 = tpu.memref_squeeze %dma_wait3A_84 : memref<1x89984xf32, #tpu.memory_space<hbm>> -> memref<89984xf32, #tpu.memory_space<hbm>>
          %dma_wait3A_86 = arith.constant 0 : i32
          %dma_wait3A_87 = tpu.memref_slice %arg6[%add3A_5, %dma_wait3A_86] : memref<64x89984xf32, #tpu.memory_space<hbm>> -> memref<1x89984xf32, #tpu.memory_space<hbm>>
          %dma_wait3A_88 = tpu.memref_squeeze %dma_wait3A_87 : memref<1x89984xf32, #tpu.memory_space<hbm>> -> memref<89984xf32, #tpu.memory_space<hbm>>
          tpu.wait_dma2 semaphore(%run_scoped3A : memref<!tpu.dma_semaphore, #tpu.memory_space<semaphore_mem>>) src(%arg8 : memref<89984xf32, #tpu.memory_space<vmem>>) dst(%dma_wait3A_88 : memref<89984xf32, #tpu.memory_space<hbm>>)
          tpu.yield
        }) : () -> ()
      } else {
      }
      %not3A = arith.constant true
      %not3A_75 = arith.xori %lt3A_28, %not3A : i1
      %convert_element_type3A_76 = arith.extui %not3A_75 : i1 to i32
      %cond3A_77 = arith.constant 0 : i32
      %cond3A_78 = arith.cmpi ne, %convert_element_type3A_76, %cond3A_77 : i32
      scf.if %cond3A_78 {
        %sub3A_79 = arith.constant 64 : i32
        %sub3A_80 = arith.subi %add3A_5, %sub3A_79 : i32
        "tpu.region"() ({
          %run_scoped3A = tpu.sem_alloc : memref<!tpu.dma_semaphore, #tpu.memory_space<semaphore_mem>>
          %dma_start3A = arith.constant 0 : i32
          %dma_start3A_81 = tpu.memref_slice %arg7[%sub3A_80, %dma_start3A] : memref<4x89984xf32, #tpu.memory_space<hbm>> -> memref<1x89984xf32, #tpu.memory_space<hbm>>
          %dma_start3A_82 = tpu.memref_squeeze %dma_start3A_81 : memref<1x89984xf32, #tpu.memory_space<hbm>> -> memref<89984xf32, #tpu.memory_space<hbm>>
          %dma_start3A_83 = arith.constant 0 : i32
          %dma_start3A_84 = tpu.memref_slice %arg7[%sub3A_80, %dma_start3A_83] : memref<4x89984xf32, #tpu.memory_space<hbm>> -> memref<1x89984xf32, #tpu.memory_space<hbm>>
          %dma_start3A_85 = tpu.memref_squeeze %dma_start3A_84 : memref<1x89984xf32, #tpu.memory_space<hbm>> -> memref<89984xf32, #tpu.memory_space<hbm>>
          tpu.enqueue_dma source(%arg8 : memref<89984xf32, #tpu.memory_space<vmem>>) target(%dma_start3A_85 : memref<89984xf32, #tpu.memory_space<hbm>>) target_semaphore(%run_scoped3A : memref<!tpu.dma_semaphore, #tpu.memory_space<semaphore_mem>>)
          %dma_wait3A = arith.constant 0 : i32
          %dma_wait3A_86 = tpu.memref_slice %arg7[%sub3A_80, %dma_wait3A] : memref<4x89984xf32, #tpu.memory_space<hbm>> -> memref<1x89984xf32, #tpu.memory_space<hbm>>
          %dma_wait3A_87 = tpu.memref_squeeze %dma_wait3A_86 : memref<1x89984xf32, #tpu.memory_space<hbm>> -> memref<89984xf32, #tpu.memory_space<hbm>>
          %dma_wait3A_88 = arith.constant 0 : i32
          %dma_wait3A_89 = tpu.memref_slice %arg7[%sub3A_80, %dma_wait3A_88] : memref<4x89984xf32, #tpu.memory_space<hbm>> -> memref<1x89984xf32, #tpu.memory_space<hbm>>
          %dma_wait3A_90 = tpu.memref_squeeze %dma_wait3A_89 : memref<1x89984xf32, #tpu.memory_space<hbm>> -> memref<89984xf32, #tpu.memory_space<hbm>>
          tpu.wait_dma2 semaphore(%run_scoped3A : memref<!tpu.dma_semaphore, #tpu.memory_space<semaphore_mem>>) src(%arg8 : memref<89984xf32, #tpu.memory_space<vmem>>) dst(%dma_wait3A_90 : memref<89984xf32, #tpu.memory_space<hbm>>)
          tpu.yield
        }) : () -> ()
      } else {
      }
    } else {
    }
    %add3A_8 = arith.constant 32 : i32
    %add3A_9 = arith.addi %add3A, %add3A_8 : i32
    %lt3A_10 = arith.constant 68 : i32
    %lt3A_11 = arith.cmpi slt, %add3A_9, %lt3A_10 : i32
    %convert_element_type3A_12 = arith.extui %lt3A_11 : i1 to i32
    %cond3A_13 = arith.constant 0 : i32
    %cond3A_14 = arith.cmpi ne, %convert_element_type3A_12, %cond3A_13 : i32
    scf.if %cond3A_14 {
      %scan3A = arith.constant 0 : i32
      %scan3A_22 = arith.constant 0 : i32
      %scan3A_23 = arith.constant 5624 : i32
      %scan3A_24 = arith.addi %scan3A_22, %scan3A_23 : i32
      %scan3A_25 = arith.constant 1 : i32
      scf.for %scan3A_79 = %scan3A_22 to %scan3A_24 step %scan3A_25  : i32 {
        %broadcast_in_dim3A_80 = arith.constant 0.000000e+00 : f32
        %broadcast_in_dim3A_81 = vector.broadcast %broadcast_in_dim3A_80 : f32 to vector<16xf32>
        %mul3A_82 = arith.constant 16 : i32
        %mul3A_83 = arith.muli %scan3A_79, %mul3A_82 : i32
        %swap3A = arith.index_cast %mul3A_83 : i32 to index
        %swap3A_84 = tpu.vector_load %arg8[%swap3A] {strides = array<i32>} : memref<89984xf32, #tpu.memory_space<vmem>>, vector<16xf32>,
        tpu.vector_store %arg8[%swap3A], %broadcast_in_dim3A_81 {strides = array<i32>} : memref<89984xf32, #tpu.memory_space<vmem>>, vector<16xf32>,
      }
      %scan3A_26 = arith.constant 5624 : i32
      %lt3A_27 = arith.constant 64 : i32
      %lt3A_28 = arith.cmpi slt, %add3A_9, %lt3A_27 : i32
      %jit3A = arith.constant 16 : i32
      %div3A = arith.divsi %add3A_9, %jit3A : i32
      %sign3A = arith.constant 0 : i32
      %sign3A_29 = arith.cmpi sgt, %add3A_9, %sign3A : i32
      %sign3A_30 = arith.extui %sign3A_29 : i1 to i32
      %sign3A_31 = arith.constant 0 : i32
      %sign3A_32 = arith.cmpi slt, %add3A_9, %sign3A_31 : i32
      %sign3A_33 = arith.extui %sign3A_32 : i1 to i32
      %sign3A_34 = arith.subi %sign3A_30, %sign3A_33 : i32
      %sign3A_35 = arith.constant 0 : i32
      %sign3A_36 = arith.cmpi sgt, %jit3A, %sign3A_35 : i32
      %sign3A_37 = arith.extui %sign3A_36 : i1 to i32
      %sign3A_38 = arith.constant 0 : i32
      %sign3A_39 = arith.cmpi slt, %jit3A, %sign3A_38 : i32
      %sign3A_40 = arith.extui %sign3A_39 : i1 to i32
      %sign3A_41 = arith.subi %sign3A_37, %sign3A_40 : i32
      %ne3A = arith.cmpi ne, %sign3A_34, %sign3A_41 : i32
      %rem3A = arith.remsi %add3A_9, %jit3A : i32
      %ne3A_42 = arith.constant 0 : i32
      %ne3A_43 = arith.cmpi ne, %rem3A, %ne3A_42 : i32
      %and3A = arith.andi %ne3A, %ne3A_43 : i1
      %sub3A = arith.constant 1 : i32
      %sub3A_44 = arith.subi %div3A, %sub3A : i32
      %select_n3A = arith.select %and3A, %sub3A_44, %div3A : i32
      %sub3A_45 = arith.constant 64 : i32
      %sub3A_46 = arith.subi %add3A_9, %sub3A_45 : i32
      %select_n3A_47 = arith.select %lt3A_28, %select_n3A, %sub3A_46 : i32
      %jit3A_48 = arith.constant 16 : i32
      %eq3A = arith.constant 0 : i32
      %eq3A_49 = arith.cmpi eq, %jit3A_48, %eq3A : i32
      %jit3A_50 = arith.constant 1 : i32
      %select_n3A_51 = arith.select %eq3A_49, %jit3A_50, %jit3A_48 : i32
      %rem3A_52 = arith.remsi %add3A_9, %select_n3A_51 : i32
      %ne3A_53 = arith.constant 0 : i32
      %ne3A_54 = arith.cmpi ne, %rem3A_52, %ne3A_53 : i32
      %lt3A_55 = arith.constant 0 : i32
      %lt3A_56 = arith.cmpi slt, %rem3A_52, %lt3A_55 : i32
      %lt3A_57 = arith.constant 0 : i32
      %lt3A_58 = arith.cmpi slt, %select_n3A_51, %lt3A_57 : i32
      %ne3A_59 = arith.xori %lt3A_56, %lt3A_58 : i1
      %and3A_60 = arith.andi %ne3A_59, %ne3A_54 : i1
      %add3A_61 = arith.addi %rem3A_52, %select_n3A_51 : i32
      %select_n3A_62 = arith.select %and3A_60, %add3A_61, %rem3A_52 : i32
      %broadcast_in_dim3A_63 = vector.broadcast %select_n3A_47 : i32 to vector<16xi32>
      %gather3A = tpu.vector_load_idx %arg12[%broadcast_in_dim3A_63] : memref<16xf32, #tpu.memory_space<vmem>>[vector<16xi32>], vector<16xf32>,
      %add3A_64 = vector.broadcast %select_n3A_62 : i32 to vector<16xi32>
      %add3A_65 = arith.addi %broadcast_in_dim3A_1, %add3A_64 : vector<16xi32>
      %scan3A_66 = arith.constant 0 : i32
      %scan3A_67 = arith.constant 0 : i32
      %scan3A_68 = arith.constant 25 : i32
      %scan3A_69 = arith.addi %scan3A_67, %scan3A_68 : i32
      %scan3A_70 = arith.constant 1 : i32
      scf.for %scan3A_79 = %scan3A_67 to %scan3A_69 step %scan3A_70  : i32 {
        %mul3A_80 = arith.constant 250000 : i32
        %mul3A_81 = arith.muli %select_n3A_47, %mul3A_80 : i32
        %mul3A_82 = arith.constant 10000 : i32
        %mul3A_83 = arith.muli %scan3A_79, %mul3A_82 : i32
        %add3A_84 = arith.addi %mul3A_81, %mul3A_83 : i32
        "tpu.region"() ({
          %run_scoped3A = tpu.sem_alloc : memref<!tpu.dma_semaphore, #tpu.memory_space<semaphore_mem>>
          %dma_start3A = tpu.memref_slice %arg2[%add3A_84] : memref<1000000xf32, #tpu.memory_space<hbm>> -> memref<10000xf32, #tpu.memory_space<hbm>>
          %dma_start3A_91 = tpu.memref_slice %arg2[%add3A_84] : memref<1000000xf32, #tpu.memory_space<hbm>> -> memref<10000xf32, #tpu.memory_space<hbm>>
          tpu.enqueue_dma source(%dma_start3A_91 : memref<10000xf32, #tpu.memory_space<hbm>>) target(%arg9 : memref<10000xf32, #tpu.memory_space<vmem>>) target_semaphore(%run_scoped3A : memref<!tpu.dma_semaphore, #tpu.memory_space<semaphore_mem>>)
          %dma_wait3A = tpu.memref_slice %arg2[%add3A_84] : memref<1000000xf32, #tpu.memory_space<hbm>> -> memref<10000xf32, #tpu.memory_space<hbm>>
          %dma_wait3A_92 = tpu.memref_slice %arg2[%add3A_84] : memref<1000000xf32, #tpu.memory_space<hbm>> -> memref<10000xf32, #tpu.memory_space<hbm>>
          tpu.wait_dma2 semaphore(%run_scoped3A : memref<!tpu.dma_semaphore, #tpu.memory_space<semaphore_mem>>) src(%dma_wait3A_92 : memref<10000xf32, #tpu.memory_space<hbm>>) dst(%arg9 : memref<10000xf32, #tpu.memory_space<vmem>>)
          tpu.yield
        }) : () -> ()
        "tpu.region"() ({
          %run_scoped3A = tpu.sem_alloc : memref<!tpu.dma_semaphore, #tpu.memory_space<semaphore_mem>>
          %dma_start3A = tpu.memref_slice %arg3[%add3A_84] : memref<1000000xf32, #tpu.memory_space<hbm>> -> memref<10000xf32, #tpu.memory_space<hbm>>
          %dma_start3A_91 = tpu.memref_slice %arg3[%add3A_84] : memref<1000000xf32, #tpu.memory_space<hbm>> -> memref<10000xf32, #tpu.memory_space<hbm>>
          tpu.enqueue_dma source(%dma_start3A_91 : memref<10000xf32, #tpu.memory_space<hbm>>) target(%arg10 : memref<10000xf32, #tpu.memory_space<vmem>>) target_semaphore(%run_scoped3A : memref<!tpu.dma_semaphore, #tpu.memory_space<semaphore_mem>>)
          %dma_wait3A = tpu.memref_slice %arg3[%add3A_84] : memref<1000000xf32, #tpu.memory_space<hbm>> -> memref<10000xf32, #tpu.memory_space<hbm>>
          %dma_wait3A_92 = tpu.memref_slice %arg3[%add3A_84] : memref<1000000xf32, #tpu.memory_space<hbm>> -> memref<10000xf32, #tpu.memory_space<hbm>>
          tpu.wait_dma2 semaphore(%run_scoped3A : memref<!tpu.dma_semaphore, #tpu.memory_space<semaphore_mem>>) src(%dma_wait3A_92 : memref<10000xf32, #tpu.memory_space<hbm>>) dst(%arg10 : memref<10000xf32, #tpu.memory_space<vmem>>)
          tpu.yield
        }) : () -> ()
        "tpu.region"() ({
          %run_scoped3A = tpu.sem_alloc : memref<!tpu.dma_semaphore, #tpu.memory_space<semaphore_mem>>
          %dma_start3A = tpu.memref_slice %arg4[%add3A_84] : memref<1000000xf32, #tpu.memory_space<hbm>> -> memref<10000xf32, #tpu.memory_space<hbm>>
          %dma_start3A_91 = tpu.memref_slice %arg4[%add3A_84] : memref<1000000xf32, #tpu.memory_space<hbm>> -> memref<10000xf32, #tpu.memory_space<hbm>>
          tpu.enqueue_dma source(%dma_start3A_91 : memref<10000xf32, #tpu.memory_space<hbm>>) target(%arg11 : memref<10000xf32, #tpu.memory_space<vmem>>) target_semaphore(%run_scoped3A : memref<!tpu.dma_semaphore, #tpu.memory_space<semaphore_mem>>)
          %dma_wait3A = tpu.memref_slice %arg4[%add3A_84] : memref<1000000xf32, #tpu.memory_space<hbm>> -> memref<10000xf32, #tpu.memory_space<hbm>>
          %dma_wait3A_92 = tpu.memref_slice %arg4[%add3A_84] : memref<1000000xf32, #tpu.memory_space<hbm>> -> memref<10000xf32, #tpu.memory_space<hbm>>
          tpu.wait_dma2 semaphore(%run_scoped3A : memref<!tpu.dma_semaphore, #tpu.memory_space<semaphore_mem>>) src(%dma_wait3A_92 : memref<10000xf32, #tpu.memory_space<hbm>>) dst(%arg11 : memref<10000xf32, #tpu.memory_space<vmem>>)
          tpu.yield
        }) : () -> ()
        %scan3A_85 = arith.constant 0 : i32
        %scan3A_86 = arith.constant 0 : i32
        %scan3A_87 = arith.constant 625 : i32
        %scan3A_88 = arith.addi %scan3A_86, %scan3A_87 : i32
        %scan3A_89 = arith.constant 1 : i32
        scf.for %scan3A_91 = %scan3A_86 to %scan3A_88 step %scan3A_89  : i32 {
          %mul3A_92 = arith.constant 16 : i32
          %mul3A_93 = arith.muli %scan3A_91, %mul3A_92 : i32
          %get3A = arith.index_cast %mul3A_93 : i32 to index
          %get3A_94 = tpu.vector_load %arg9[%get3A] {strides = array<i32>} : memref<10000xf32, #tpu.memory_space<vmem>>, vector<16xf32>,
          %mul3A_95 = arith.constant 16 : i32
          %mul3A_96 = arith.muli %scan3A_91, %mul3A_95 : i32
          %get3A_97 = arith.index_cast %mul3A_96 : i32 to index
          %get3A_98 = tpu.vector_load %arg10[%get3A_97] {strides = array<i32>} : memref<10000xf32, #tpu.memory_space<vmem>>, vector<16xf32>,
          %mul3A_99 = arith.constant 16 : i32
          %mul3A_100 = arith.muli %scan3A_91, %mul3A_99 : i32
          %get3A_101 = arith.index_cast %mul3A_100 : i32 to index
          %get3A_102 = tpu.vector_load %arg11[%get3A_101] {strides = array<i32>} : memref<10000xf32, #tpu.memory_space<vmem>>, vector<16xf32>,
          %convert_element_type3A_103 = arith.fptosi %get3A_94 : vector<16xf32> to vector<16xi32>
          %convert_element_type3A_104 = arith.fptosi %get3A_98 : vector<16xf32> to vector<16xi32>
          %div3A_105 = arith.divf %get3A_102, %gather3A : vector<16xf32>
          %mul3A_106 = arith.constant 1.600000e+01 : f32
          %mul3A_107 = vector.broadcast %mul3A_106 : f32 to vector<16xf32>
          %mul3A_108 = arith.mulf %div3A_105, %mul3A_107 : vector<16xf32>
          %convert_element_type3A_109 = arith.fptosi %mul3A_108 : vector<16xf32> to vector<16xi32>
          %min3A = arith.constant 15 : i32
          %min3A_110 = vector.broadcast %min3A : i32 to vector<16xi32>
          %min3A_111 = arith.minsi %convert_element_type3A_109, %min3A_110 : vector<16xi32>
          %convert_element_type3A_112 = arith.extui %lt3A_28 : i1 to i32
          %cond3A_113 = arith.constant 0 : i32
          %cond3A_114 = arith.cmpi ne, %convert_element_type3A_112, %cond3A_113 : i32
          scf.if %cond3A_114 {
            %mul3A_120 = arith.constant 346 : i32
            %mul3A_121 = vector.broadcast %mul3A_120 : i32 to vector<16xi32>
            %mul3A_122 = arith.muli %convert_element_type3A_104, %mul3A_121 : vector<16xi32>
            %add3A_123 = arith.addi %mul3A_122, %convert_element_type3A_103 : vector<16xi32>
            %eq3A_124 = arith.cmpi eq, %min3A_111, %add3A_65 : vector<16xi32>
            tpu.vector_store_idx %arg8[%add3A_123], %broadcast_in_dim3A_3 masked %eq3A_124 : memref<89984xf32, #tpu.memory_space<vmem>>[vector<16xi32>], vector<16xf32>, vector<16xi1>
          } else {
          }
          %not3A_115 = arith.constant true
          %not3A_116 = arith.xori %lt3A_28, %not3A_115 : i1
          %convert_element_type3A_117 = arith.extui %not3A_116 : i1 to i32
          %cond3A_118 = arith.constant 0 : i32
          %cond3A_119 = arith.cmpi ne, %convert_element_type3A_117, %cond3A_118 : i32
          scf.if %cond3A_119 {
            %shift_right_arithmetic3A = arith.constant 1 : i32
            %shift_right_arithmetic3A_120 = vector.broadcast %shift_right_arithmetic3A : i32 to vector<16xi32>
            %shift_right_arithmetic3A_121 = arith.shrsi %convert_element_type3A_104, %shift_right_arithmetic3A_120 : vector<16xi32>
            %mul3A_122 = arith.constant 173 : i32
            %mul3A_123 = vector.broadcast %mul3A_122 : i32 to vector<16xi32>
            %mul3A_124 = arith.muli %shift_right_arithmetic3A_121, %mul3A_123 : vector<16xi32>
            %shift_right_arithmetic3A_125 = arith.constant 1 : i32
            %shift_right_arithmetic3A_126 = vector.broadcast %shift_right_arithmetic3A_125 : i32 to vector<16xi32>
            %shift_right_arithmetic3A_127 = arith.shrsi %convert_element_type3A_103, %shift_right_arithmetic3A_126 : vector<16xi32>
            %add3A_128 = arith.addi %mul3A_124, %shift_right_arithmetic3A_127 : vector<16xi32>
            %and3A_129 = arith.constant 1 : i32
            %and3A_130 = vector.broadcast %and3A_129 : i32 to vector<16xi32>
            %and3A_131 = arith.andi %convert_element_type3A_103, %and3A_130 : vector<16xi32>
            %shift_left3A = arith.constant 1 : i32
            %shift_left3A_132 = vector.broadcast %shift_left3A : i32 to vector<16xi32>
            %shift_left3A_133 = arith.shli %and3A_131, %shift_left3A_132 : vector<16xi32>
            %sub3A_134 = arith.constant 1 : i32
            %sub3A_135 = vector.broadcast %sub3A_134 : i32 to vector<16xi32>
            %sub3A_136 = arith.subi %sub3A_135, %shift_left3A_133 : vector<16xi32>
            %convert_element_type3A_137 = arith.sitofp %sub3A_136 : vector<16xi32> to vector<16xf32>
            %and3A_138 = arith.constant 1 : i32
            %and3A_139 = vector.broadcast %and3A_138 : i32 to vector<16xi32>
            %and3A_140 = arith.andi %convert_element_type3A_104, %and3A_139 : vector<16xi32>
            %shift_left3A_141 = arith.constant 1 : i32
            %shift_left3A_142 = vector.broadcast %shift_left3A_141 : i32 to vector<16xi32>
            %shift_left3A_143 = arith.shli %and3A_140, %shift_left3A_142 : vector<16xi32>
            %sub3A_144 = arith.constant 1 : i32
            %sub3A_145 = vector.broadcast %sub3A_144 : i32 to vector<16xi32>
            %sub3A_146 = arith.subi %sub3A_145, %shift_left3A_143 : vector<16xi32>
            %convert_element_type3A_147 = arith.sitofp %sub3A_146 : vector<16xi32> to vector<16xf32>
            tpu.vector_store_idx %arg8[%add3A_128], %convert_element_type3A_137 {add = true} : memref<89984xf32, #tpu.memory_space<vmem>>[vector<16xi32>], vector<16xf32>,
            %add3A_148 = arith.constant 22496 : i32
            %add3A_149 = vector.broadcast %add3A_148 : i32 to vector<16xi32>
            %add3A_150 = arith.addi %add3A_128, %add3A_149 : vector<16xi32>
            tpu.vector_store_idx %arg8[%add3A_150], %convert_element_type3A_147 {add = true} : memref<89984xf32, #tpu.memory_space<vmem>>[vector<16xi32>], vector<16xf32>,
            %add3A_151 = arith.constant 44992 : i32
            %add3A_152 = vector.broadcast %add3A_151 : i32 to vector<16xi32>
            %add3A_153 = arith.addi %add3A_128, %add3A_152 : vector<16xi32>
            tpu.vector_store_idx %arg8[%add3A_153], %div3A_105 {add = true} : memref<89984xf32, #tpu.memory_space<vmem>>[vector<16xi32>], vector<16xf32>,
            %add3A_154 = arith.constant 67488 : i32
            %add3A_155 = vector.broadcast %add3A_154 : i32 to vector<16xi32>
            %add3A_156 = arith.addi %add3A_128, %add3A_155 : vector<16xi32>
            tpu.vector_store_idx %arg8[%add3A_156], %broadcast_in_dim3A_3 {add = true} : memref<89984xf32, #tpu.memory_space<vmem>>[vector<16xi32>], vector<16xf32>,
          } else {
          }
        }
        %scan3A_90 = arith.constant 625 : i32
      }
      %scan3A_71 = arith.constant 25 : i32
      %convert_element_type3A_72 = arith.extui %lt3A_28 : i1 to i32
      %cond3A_73 = arith.constant 0 : i32
      %cond3A_74 = arith.cmpi ne, %convert_element_type3A_72, %cond3A_73 : i32
      scf.if %cond3A_74 {
        "tpu.region"() ({
          %run_scoped3A = tpu.sem_alloc : memref<!tpu.dma_semaphore, #tpu.memory_space<semaphore_mem>>
          %dma_start3A = arith.constant 0 : i32
          %dma_start3A_79 = tpu.memref_slice %arg6[%add3A_9, %dma_start3A] : memref<64x89984xf32, #tpu.memory_space<hbm>> -> memref<1x89984xf32, #tpu.memory_space<hbm>>
          %dma_start3A_80 = tpu.memref_squeeze %dma_start3A_79 : memref<1x89984xf32, #tpu.memory_space<hbm>> -> memref<89984xf32, #tpu.memory_space<hbm>>
          %dma_start3A_81 = arith.constant 0 : i32
          %dma_start3A_82 = tpu.memref_slice %arg6[%add3A_9, %dma_start3A_81] : memref<64x89984xf32, #tpu.memory_space<hbm>> -> memref<1x89984xf32, #tpu.memory_space<hbm>>
          %dma_start3A_83 = tpu.memref_squeeze %dma_start3A_82 : memref<1x89984xf32, #tpu.memory_space<hbm>> -> memref<89984xf32, #tpu.memory_space<hbm>>
          tpu.enqueue_dma source(%arg8 : memref<89984xf32, #tpu.memory_space<vmem>>) target(%dma_start3A_83 : memref<89984xf32, #tpu.memory_space<hbm>>) target_semaphore(%run_scoped3A : memref<!tpu.dma_semaphore, #tpu.memory_space<semaphore_mem>>)
          %dma_wait3A = arith.constant 0 : i32
          %dma_wait3A_84 = tpu.memref_slice %arg6[%add3A_9, %dma_wait3A] : memref<64x89984xf32, #tpu.memory_space<hbm>> -> memref<1x89984xf32, #tpu.memory_space<hbm>>
          %dma_wait3A_85 = tpu.memref_squeeze %dma_wait3A_84 : memref<1x89984xf32, #tpu.memory_space<hbm>> -> memref<89984xf32, #tpu.memory_space<hbm>>
          %dma_wait3A_86 = arith.constant 0 : i32
          %dma_wait3A_87 = tpu.memref_slice %arg6[%add3A_9, %dma_wait3A_86] : memref<64x89984xf32, #tpu.memory_space<hbm>> -> memref<1x89984xf32, #tpu.memory_space<hbm>>
          %dma_wait3A_88 = tpu.memref_squeeze %dma_wait3A_87 : memref<1x89984xf32, #tpu.memory_space<hbm>> -> memref<89984xf32, #tpu.memory_space<hbm>>
          tpu.wait_dma2 semaphore(%run_scoped3A : memref<!tpu.dma_semaphore, #tpu.memory_space<semaphore_mem>>) src(%arg8 : memref<89984xf32, #tpu.memory_space<vmem>>) dst(%dma_wait3A_88 : memref<89984xf32, #tpu.memory_space<hbm>>)
          tpu.yield
        }) : () -> ()
      } else {
      }
      %not3A = arith.constant true
      %not3A_75 = arith.xori %lt3A_28, %not3A : i1
      %convert_element_type3A_76 = arith.extui %not3A_75 : i1 to i32
      %cond3A_77 = arith.constant 0 : i32
      %cond3A_78 = arith.cmpi ne, %convert_element_type3A_76, %cond3A_77 : i32
      scf.if %cond3A_78 {
        %sub3A_79 = arith.constant 64 : i32
        %sub3A_80 = arith.subi %add3A_9, %sub3A_79 : i32
        "tpu.region"() ({
          %run_scoped3A = tpu.sem_alloc : memref<!tpu.dma_semaphore, #tpu.memory_space<semaphore_mem>>
          %dma_start3A = arith.constant 0 : i32
          %dma_start3A_81 = tpu.memref_slice %arg7[%sub3A_80, %dma_start3A] : memref<4x89984xf32, #tpu.memory_space<hbm>> -> memref<1x89984xf32, #tpu.memory_space<hbm>>
          %dma_start3A_82 = tpu.memref_squeeze %dma_start3A_81 : memref<1x89984xf32, #tpu.memory_space<hbm>> -> memref<89984xf32, #tpu.memory_space<hbm>>
          %dma_start3A_83 = arith.constant 0 : i32
          %dma_start3A_84 = tpu.memref_slice %arg7[%sub3A_80, %dma_start3A_83] : memref<4x89984xf32, #tpu.memory_space<hbm>> -> memref<1x89984xf32, #tpu.memory_space<hbm>>
          %dma_start3A_85 = tpu.memref_squeeze %dma_start3A_84 : memref<1x89984xf32, #tpu.memory_space<hbm>> -> memref<89984xf32, #tpu.memory_space<hbm>>
          tpu.enqueue_dma source(%arg8 : memref<89984xf32, #tpu.memory_space<vmem>>) target(%dma_start3A_85 : memref<89984xf32, #tpu.memory_space<hbm>>) target_semaphore(%run_scoped3A : memref<!tpu.dma_semaphore, #tpu.memory_space<semaphore_mem>>)
          %dma_wait3A = arith.constant 0 : i32
          %dma_wait3A_86 = tpu.memref_slice %arg7[%sub3A_80, %dma_wait3A] : memref<4x89984xf32, #tpu.memory_space<hbm>> -> memref<1x89984xf32, #tpu.memory_space<hbm>>
          %dma_wait3A_87 = tpu.memref_squeeze %dma_wait3A_86 : memref<1x89984xf32, #tpu.memory_space<hbm>> -> memref<89984xf32, #tpu.memory_space<hbm>>
          %dma_wait3A_88 = arith.constant 0 : i32
          %dma_wait3A_89 = tpu.memref_slice %arg7[%sub3A_80, %dma_wait3A_88] : memref<4x89984xf32, #tpu.memory_space<hbm>> -> memref<1x89984xf32, #tpu.memory_space<hbm>>
          %dma_wait3A_90 = tpu.memref_squeeze %dma_wait3A_89 : memref<1x89984xf32, #tpu.memory_space<hbm>> -> memref<89984xf32, #tpu.memory_space<hbm>>
          tpu.wait_dma2 semaphore(%run_scoped3A : memref<!tpu.dma_semaphore, #tpu.memory_space<semaphore_mem>>) src(%arg8 : memref<89984xf32, #tpu.memory_space<vmem>>) dst(%dma_wait3A_90 : memref<89984xf32, #tpu.memory_space<hbm>>)
          tpu.yield
        }) : () -> ()
      } else {
      }
    } else {
    }
    %add3A_15 = arith.constant 64 : i32
    %add3A_16 = arith.addi %add3A, %add3A_15 : i32
    %lt3A_17 = arith.constant 68 : i32
    %lt3A_18 = arith.cmpi slt, %add3A_16, %lt3A_17 : i32
    %convert_element_type3A_19 = arith.extui %lt3A_18 : i1 to i32
    %cond3A_20 = arith.constant 0 : i32
    %cond3A_21 = arith.cmpi ne, %convert_element_type3A_19, %cond3A_20 : i32
    scf.if %cond3A_21 {
      %scan3A = arith.constant 0 : i32
      %scan3A_22 = arith.constant 0 : i32
      %scan3A_23 = arith.constant 5624 : i32
      %scan3A_24 = arith.addi %scan3A_22, %scan3A_23 : i32
      %scan3A_25 = arith.constant 1 : i32
      scf.for %scan3A_79 = %scan3A_22 to %scan3A_24 step %scan3A_25  : i32 {
        %broadcast_in_dim3A_80 = arith.constant 0.000000e+00 : f32
        %broadcast_in_dim3A_81 = vector.broadcast %broadcast_in_dim3A_80 : f32 to vector<16xf32>
        %mul3A_82 = arith.constant 16 : i32
        %mul3A_83 = arith.muli %scan3A_79, %mul3A_82 : i32
        %swap3A = arith.index_cast %mul3A_83 : i32 to index
        %swap3A_84 = tpu.vector_load %arg8[%swap3A] {strides = array<i32>} : memref<89984xf32, #tpu.memory_space<vmem>>, vector<16xf32>,
        tpu.vector_store %arg8[%swap3A], %broadcast_in_dim3A_81 {strides = array<i32>} : memref<89984xf32, #tpu.memory_space<vmem>>, vector<16xf32>,
      }
      %scan3A_26 = arith.constant 5624 : i32
      %lt3A_27 = arith.constant 64 : i32
      %lt3A_28 = arith.cmpi slt, %add3A_16, %lt3A_27 : i32
      %jit3A = arith.constant 16 : i32
      %div3A = arith.divsi %add3A_16, %jit3A : i32
      %sign3A = arith.constant 0 : i32
      %sign3A_29 = arith.cmpi sgt, %add3A_16, %sign3A : i32
      %sign3A_30 = arith.extui %sign3A_29 : i1 to i32
      %sign3A_31 = arith.constant 0 : i32
      %sign3A_32 = arith.cmpi slt, %add3A_16, %sign3A_31 : i32
      %sign3A_33 = arith.extui %sign3A_32 : i1 to i32
      %sign3A_34 = arith.subi %sign3A_30, %sign3A_33 : i32
      %sign3A_35 = arith.constant 0 : i32
      %sign3A_36 = arith.cmpi sgt, %jit3A, %sign3A_35 : i32
      %sign3A_37 = arith.extui %sign3A_36 : i1 to i32
      %sign3A_38 = arith.constant 0 : i32
      %sign3A_39 = arith.cmpi slt, %jit3A, %sign3A_38 : i32
      %sign3A_40 = arith.extui %sign3A_39 : i1 to i32
      %sign3A_41 = arith.subi %sign3A_37, %sign3A_40 : i32
      %ne3A = arith.cmpi ne, %sign3A_34, %sign3A_41 : i32
      %rem3A = arith.remsi %add3A_16, %jit3A : i32
      %ne3A_42 = arith.constant 0 : i32
      %ne3A_43 = arith.cmpi ne, %rem3A, %ne3A_42 : i32
      %and3A = arith.andi %ne3A, %ne3A_43 : i1
      %sub3A = arith.constant 1 : i32
      %sub3A_44 = arith.subi %div3A, %sub3A : i32
      %select_n3A = arith.select %and3A, %sub3A_44, %div3A : i32
      %sub3A_45 = arith.constant 64 : i32
      %sub3A_46 = arith.subi %add3A_16, %sub3A_45 : i32
      %select_n3A_47 = arith.select %lt3A_28, %select_n3A, %sub3A_46 : i32
      %jit3A_48 = arith.constant 16 : i32
      %eq3A = arith.constant 0 : i32
      %eq3A_49 = arith.cmpi eq, %jit3A_48, %eq3A : i32
      %jit3A_50 = arith.constant 1 : i32
      %select_n3A_51 = arith.select %eq3A_49, %jit3A_50, %jit3A_48 : i32
      %rem3A_52 = arith.remsi %add3A_16, %select_n3A_51 : i32
      %ne3A_53 = arith.constant 0 : i32
      %ne3A_54 = arith.cmpi ne, %rem3A_52, %ne3A_53 : i32
      %lt3A_55 = arith.constant 0 : i32
      %lt3A_56 = arith.cmpi slt, %rem3A_52, %lt3A_55 : i32
      %lt3A_57 = arith.constant 0 : i32
      %lt3A_58 = arith.cmpi slt, %select_n3A_51, %lt3A_57 : i32
      %ne3A_59 = arith.xori %lt3A_56, %lt3A_58 : i1
      %and3A_60 = arith.andi %ne3A_59, %ne3A_54 : i1
      %add3A_61 = arith.addi %rem3A_52, %select_n3A_51 : i32
      %select_n3A_62 = arith.select %and3A_60, %add3A_61, %rem3A_52 : i32
      %broadcast_in_dim3A_63 = vector.broadcast %select_n3A_47 : i32 to vector<16xi32>
      %gather3A = tpu.vector_load_idx %arg12[%broadcast_in_dim3A_63] : memref<16xf32, #tpu.memory_space<vmem>>[vector<16xi32>], vector<16xf32>,
      %add3A_64 = vector.broadcast %select_n3A_62 : i32 to vector<16xi32>
      %add3A_65 = arith.addi %broadcast_in_dim3A_1, %add3A_64 : vector<16xi32>
      %scan3A_66 = arith.constant 0 : i32
      %scan3A_67 = arith.constant 0 : i32
      %scan3A_68 = arith.constant 25 : i32
      %scan3A_69 = arith.addi %scan3A_67, %scan3A_68 : i32
      %scan3A_70 = arith.constant 1 : i32
      scf.for %scan3A_79 = %scan3A_67 to %scan3A_69 step %scan3A_70  : i32 {
        %mul3A_80 = arith.constant 250000 : i32
        %mul3A_81 = arith.muli %select_n3A_47, %mul3A_80 : i32
        %mul3A_82 = arith.constant 10000 : i32
        %mul3A_83 = arith.muli %scan3A_79, %mul3A_82 : i32
        %add3A_84 = arith.addi %mul3A_81, %mul3A_83 : i32
        "tpu.region"() ({
          %run_scoped3A = tpu.sem_alloc : memref<!tpu.dma_semaphore, #tpu.memory_space<semaphore_mem>>
          %dma_start3A = tpu.memref_slice %arg2[%add3A_84] : memref<1000000xf32, #tpu.memory_space<hbm>> -> memref<10000xf32, #tpu.memory_space<hbm>>
          %dma_start3A_91 = tpu.memref_slice %arg2[%add3A_84] : memref<1000000xf32, #tpu.memory_space<hbm>> -> memref<10000xf32, #tpu.memory_space<hbm>>
          tpu.enqueue_dma source(%dma_start3A_91 : memref<10000xf32, #tpu.memory_space<hbm>>) target(%arg9 : memref<10000xf32, #tpu.memory_space<vmem>>) target_semaphore(%run_scoped3A : memref<!tpu.dma_semaphore, #tpu.memory_space<semaphore_mem>>)
          %dma_wait3A = tpu.memref_slice %arg2[%add3A_84] : memref<1000000xf32, #tpu.memory_space<hbm>> -> memref<10000xf32, #tpu.memory_space<hbm>>
          %dma_wait3A_92 = tpu.memref_slice %arg2[%add3A_84] : memref<1000000xf32, #tpu.memory_space<hbm>> -> memref<10000xf32, #tpu.memory_space<hbm>>
          tpu.wait_dma2 semaphore(%run_scoped3A : memref<!tpu.dma_semaphore, #tpu.memory_space<semaphore_mem>>) src(%dma_wait3A_92 : memref<10000xf32, #tpu.memory_space<hbm>>) dst(%arg9 : memref<10000xf32, #tpu.memory_space<vmem>>)
          tpu.yield
        }) : () -> ()
        "tpu.region"() ({
          %run_scoped3A = tpu.sem_alloc : memref<!tpu.dma_semaphore, #tpu.memory_space<semaphore_mem>>
          %dma_start3A = tpu.memref_slice %arg3[%add3A_84] : memref<1000000xf32, #tpu.memory_space<hbm>> -> memref<10000xf32, #tpu.memory_space<hbm>>
          %dma_start3A_91 = tpu.memref_slice %arg3[%add3A_84] : memref<1000000xf32, #tpu.memory_space<hbm>> -> memref<10000xf32, #tpu.memory_space<hbm>>
          tpu.enqueue_dma source(%dma_start3A_91 : memref<10000xf32, #tpu.memory_space<hbm>>) target(%arg10 : memref<10000xf32, #tpu.memory_space<vmem>>) target_semaphore(%run_scoped3A : memref<!tpu.dma_semaphore, #tpu.memory_space<semaphore_mem>>)
          %dma_wait3A = tpu.memref_slice %arg3[%add3A_84] : memref<1000000xf32, #tpu.memory_space<hbm>> -> memref<10000xf32, #tpu.memory_space<hbm>>
          %dma_wait3A_92 = tpu.memref_slice %arg3[%add3A_84] : memref<1000000xf32, #tpu.memory_space<hbm>> -> memref<10000xf32, #tpu.memory_space<hbm>>
          tpu.wait_dma2 semaphore(%run_scoped3A : memref<!tpu.dma_semaphore, #tpu.memory_space<semaphore_mem>>) src(%dma_wait3A_92 : memref<10000xf32, #tpu.memory_space<hbm>>) dst(%arg10 : memref<10000xf32, #tpu.memory_space<vmem>>)
          tpu.yield
        }) : () -> ()
        "tpu.region"() ({
          %run_scoped3A = tpu.sem_alloc : memref<!tpu.dma_semaphore, #tpu.memory_space<semaphore_mem>>
          %dma_start3A = tpu.memref_slice %arg4[%add3A_84] : memref<1000000xf32, #tpu.memory_space<hbm>> -> memref<10000xf32, #tpu.memory_space<hbm>>
          %dma_start3A_91 = tpu.memref_slice %arg4[%add3A_84] : memref<1000000xf32, #tpu.memory_space<hbm>> -> memref<10000xf32, #tpu.memory_space<hbm>>
          tpu.enqueue_dma source(%dma_start3A_91 : memref<10000xf32, #tpu.memory_space<hbm>>) target(%arg11 : memref<10000xf32, #tpu.memory_space<vmem>>) target_semaphore(%run_scoped3A : memref<!tpu.dma_semaphore, #tpu.memory_space<semaphore_mem>>)
          %dma_wait3A = tpu.memref_slice %arg4[%add3A_84] : memref<1000000xf32, #tpu.memory_space<hbm>> -> memref<10000xf32, #tpu.memory_space<hbm>>
          %dma_wait3A_92 = tpu.memref_slice %arg4[%add3A_84] : memref<1000000xf32, #tpu.memory_space<hbm>> -> memref<10000xf32, #tpu.memory_space<hbm>>
          tpu.wait_dma2 semaphore(%run_scoped3A : memref<!tpu.dma_semaphore, #tpu.memory_space<semaphore_mem>>) src(%dma_wait3A_92 : memref<10000xf32, #tpu.memory_space<hbm>>) dst(%arg11 : memref<10000xf32, #tpu.memory_space<vmem>>)
          tpu.yield
        }) : () -> ()
        %scan3A_85 = arith.constant 0 : i32
        %scan3A_86 = arith.constant 0 : i32
        %scan3A_87 = arith.constant 625 : i32
        %scan3A_88 = arith.addi %scan3A_86, %scan3A_87 : i32
        %scan3A_89 = arith.constant 1 : i32
        scf.for %scan3A_91 = %scan3A_86 to %scan3A_88 step %scan3A_89  : i32 {
          %mul3A_92 = arith.constant 16 : i32
          %mul3A_93 = arith.muli %scan3A_91, %mul3A_92 : i32
          %get3A = arith.index_cast %mul3A_93 : i32 to index
          %get3A_94 = tpu.vector_load %arg9[%get3A] {strides = array<i32>} : memref<10000xf32, #tpu.memory_space<vmem>>, vector<16xf32>,
          %mul3A_95 = arith.constant 16 : i32
          %mul3A_96 = arith.muli %scan3A_91, %mul3A_95 : i32
          %get3A_97 = arith.index_cast %mul3A_96 : i32 to index
          %get3A_98 = tpu.vector_load %arg10[%get3A_97] {strides = array<i32>} : memref<10000xf32, #tpu.memory_space<vmem>>, vector<16xf32>,
          %mul3A_99 = arith.constant 16 : i32
          %mul3A_100 = arith.muli %scan3A_91, %mul3A_99 : i32
          %get3A_101 = arith.index_cast %mul3A_100 : i32 to index
          %get3A_102 = tpu.vector_load %arg11[%get3A_101] {strides = array<i32>} : memref<10000xf32, #tpu.memory_space<vmem>>, vector<16xf32>,
          %convert_element_type3A_103 = arith.fptosi %get3A_94 : vector<16xf32> to vector<16xi32>
          %convert_element_type3A_104 = arith.fptosi %get3A_98 : vector<16xf32> to vector<16xi32>
          %div3A_105 = arith.divf %get3A_102, %gather3A : vector<16xf32>
          %mul3A_106 = arith.constant 1.600000e+01 : f32
          %mul3A_107 = vector.broadcast %mul3A_106 : f32 to vector<16xf32>
          %mul3A_108 = arith.mulf %div3A_105, %mul3A_107 : vector<16xf32>
          %convert_element_type3A_109 = arith.fptosi %mul3A_108 : vector<16xf32> to vector<16xi32>
          %min3A = arith.constant 15 : i32
          %min3A_110 = vector.broadcast %min3A : i32 to vector<16xi32>
          %min3A_111 = arith.minsi %convert_element_type3A_109, %min3A_110 : vector<16xi32>
          %convert_element_type3A_112 = arith.extui %lt3A_28 : i1 to i32
          %cond3A_113 = arith.constant 0 : i32
          %cond3A_114 = arith.cmpi ne, %convert_element_type3A_112, %cond3A_113 : i32
          scf.if %cond3A_114 {
            %mul3A_120 = arith.constant 346 : i32
            %mul3A_121 = vector.broadcast %mul3A_120 : i32 to vector<16xi32>
            %mul3A_122 = arith.muli %convert_element_type3A_104, %mul3A_121 : vector<16xi32>
            %add3A_123 = arith.addi %mul3A_122, %convert_element_type3A_103 : vector<16xi32>
            %eq3A_124 = arith.cmpi eq, %min3A_111, %add3A_65 : vector<16xi32>
            tpu.vector_store_idx %arg8[%add3A_123], %broadcast_in_dim3A_3 masked %eq3A_124 : memref<89984xf32, #tpu.memory_space<vmem>>[vector<16xi32>], vector<16xf32>, vector<16xi1>
          } else {
          }
          %not3A_115 = arith.constant true
          %not3A_116 = arith.xori %lt3A_28, %not3A_115 : i1
          %convert_element_type3A_117 = arith.extui %not3A_116 : i1 to i32
          %cond3A_118 = arith.constant 0 : i32
          %cond3A_119 = arith.cmpi ne, %convert_element_type3A_117, %cond3A_118 : i32
          scf.if %cond3A_119 {
            %shift_right_arithmetic3A = arith.constant 1 : i32
            %shift_right_arithmetic3A_120 = vector.broadcast %shift_right_arithmetic3A : i32 to vector<16xi32>
            %shift_right_arithmetic3A_121 = arith.shrsi %convert_element_type3A_104, %shift_right_arithmetic3A_120 : vector<16xi32>
            %mul3A_122 = arith.constant 173 : i32
            %mul3A_123 = vector.broadcast %mul3A_122 : i32 to vector<16xi32>
            %mul3A_124 = arith.muli %shift_right_arithmetic3A_121, %mul3A_123 : vector<16xi32>
            %shift_right_arithmetic3A_125 = arith.constant 1 : i32
            %shift_right_arithmetic3A_126 = vector.broadcast %shift_right_arithmetic3A_125 : i32 to vector<16xi32>
            %shift_right_arithmetic3A_127 = arith.shrsi %convert_element_type3A_103, %shift_right_arithmetic3A_126 : vector<16xi32>
            %add3A_128 = arith.addi %mul3A_124, %shift_right_arithmetic3A_127 : vector<16xi32>
            %and3A_129 = arith.constant 1 : i32
            %and3A_130 = vector.broadcast %and3A_129 : i32 to vector<16xi32>
            %and3A_131 = arith.andi %convert_element_type3A_103, %and3A_130 : vector<16xi32>
            %shift_left3A = arith.constant 1 : i32
            %shift_left3A_132 = vector.broadcast %shift_left3A : i32 to vector<16xi32>
            %shift_left3A_133 = arith.shli %and3A_131, %shift_left3A_132 : vector<16xi32>
            %sub3A_134 = arith.constant 1 : i32
            %sub3A_135 = vector.broadcast %sub3A_134 : i32 to vector<16xi32>
            %sub3A_136 = arith.subi %sub3A_135, %shift_left3A_133 : vector<16xi32>
            %convert_element_type3A_137 = arith.sitofp %sub3A_136 : vector<16xi32> to vector<16xf32>
            %and3A_138 = arith.constant 1 : i32
            %and3A_139 = vector.broadcast %and3A_138 : i32 to vector<16xi32>
            %and3A_140 = arith.andi %convert_element_type3A_104, %and3A_139 : vector<16xi32>
            %shift_left3A_141 = arith.constant 1 : i32
            %shift_left3A_142 = vector.broadcast %shift_left3A_141 : i32 to vector<16xi32>
            %shift_left3A_143 = arith.shli %and3A_140, %shift_left3A_142 : vector<16xi32>
            %sub3A_144 = arith.constant 1 : i32
            %sub3A_145 = vector.broadcast %sub3A_144 : i32 to vector<16xi32>
            %sub3A_146 = arith.subi %sub3A_145, %shift_left3A_143 : vector<16xi32>
            %convert_element_type3A_147 = arith.sitofp %sub3A_146 : vector<16xi32> to vector<16xf32>
            tpu.vector_store_idx %arg8[%add3A_128], %convert_element_type3A_137 {add = true} : memref<89984xf32, #tpu.memory_space<vmem>>[vector<16xi32>], vector<16xf32>,
            %add3A_148 = arith.constant 22496 : i32
            %add3A_149 = vector.broadcast %add3A_148 : i32 to vector<16xi32>
            %add3A_150 = arith.addi %add3A_128, %add3A_149 : vector<16xi32>
            tpu.vector_store_idx %arg8[%add3A_150], %convert_element_type3A_147 {add = true} : memref<89984xf32, #tpu.memory_space<vmem>>[vector<16xi32>], vector<16xf32>,
            %add3A_151 = arith.constant 44992 : i32
            %add3A_152 = vector.broadcast %add3A_151 : i32 to vector<16xi32>
            %add3A_153 = arith.addi %add3A_128, %add3A_152 : vector<16xi32>
            tpu.vector_store_idx %arg8[%add3A_153], %div3A_105 {add = true} : memref<89984xf32, #tpu.memory_space<vmem>>[vector<16xi32>], vector<16xf32>,
            %add3A_154 = arith.constant 67488 : i32
            %add3A_155 = vector.broadcast %add3A_154 : i32 to vector<16xi32>
            %add3A_156 = arith.addi %add3A_128, %add3A_155 : vector<16xi32>
            tpu.vector_store_idx %arg8[%add3A_156], %broadcast_in_dim3A_3 {add = true} : memref<89984xf32, #tpu.memory_space<vmem>>[vector<16xi32>], vector<16xf32>,
          } else {
          }
        }
        %scan3A_90 = arith.constant 625 : i32
      }
      %scan3A_71 = arith.constant 25 : i32
      %convert_element_type3A_72 = arith.extui %lt3A_28 : i1 to i32
      %cond3A_73 = arith.constant 0 : i32
      %cond3A_74 = arith.cmpi ne, %convert_element_type3A_72, %cond3A_73 : i32
      scf.if %cond3A_74 {
        "tpu.region"() ({
          %run_scoped3A = tpu.sem_alloc : memref<!tpu.dma_semaphore, #tpu.memory_space<semaphore_mem>>
          %dma_start3A = arith.constant 0 : i32
          %dma_start3A_79 = tpu.memref_slice %arg6[%add3A_16, %dma_start3A] : memref<64x89984xf32, #tpu.memory_space<hbm>> -> memref<1x89984xf32, #tpu.memory_space<hbm>>
          %dma_start3A_80 = tpu.memref_squeeze %dma_start3A_79 : memref<1x89984xf32, #tpu.memory_space<hbm>> -> memref<89984xf32, #tpu.memory_space<hbm>>
          %dma_start3A_81 = arith.constant 0 : i32
          %dma_start3A_82 = tpu.memref_slice %arg6[%add3A_16, %dma_start3A_81] : memref<64x89984xf32, #tpu.memory_space<hbm>> -> memref<1x89984xf32, #tpu.memory_space<hbm>>
          %dma_start3A_83 = tpu.memref_squeeze %dma_start3A_82 : memref<1x89984xf32, #tpu.memory_space<hbm>> -> memref<89984xf32, #tpu.memory_space<hbm>>
          tpu.enqueue_dma source(%arg8 : memref<89984xf32, #tpu.memory_space<vmem>>) target(%dma_start3A_83 : memref<89984xf32, #tpu.memory_space<hbm>>) target_semaphore(%run_scoped3A : memref<!tpu.dma_semaphore, #tpu.memory_space<semaphore_mem>>)
          %dma_wait3A = arith.constant 0 : i32
          %dma_wait3A_84 = tpu.memref_slice %arg6[%add3A_16, %dma_wait3A] : memref<64x89984xf32, #tpu.memory_space<hbm>> -> memref<1x89984xf32, #tpu.memory_space<hbm>>
          %dma_wait3A_85 = tpu.memref_squeeze %dma_wait3A_84 : memref<1x89984xf32, #tpu.memory_space<hbm>> -> memref<89984xf32, #tpu.memory_space<hbm>>
          %dma_wait3A_86 = arith.constant 0 : i32
          %dma_wait3A_87 = tpu.memref_slice %arg6[%add3A_16, %dma_wait3A_86] : memref<64x89984xf32, #tpu.memory_space<hbm>> -> memref<1x89984xf32, #tpu.memory_space<hbm>>
          %dma_wait3A_88 = tpu.memref_squeeze %dma_wait3A_87 : memref<1x89984xf32, #tpu.memory_space<hbm>> -> memref<89984xf32, #tpu.memory_space<hbm>>
          tpu.wait_dma2 semaphore(%run_scoped3A : memref<!tpu.dma_semaphore, #tpu.memory_space<semaphore_mem>>) src(%arg8 : memref<89984xf32, #tpu.memory_space<vmem>>) dst(%dma_wait3A_88 : memref<89984xf32, #tpu.memory_space<hbm>>)
          tpu.yield
        }) : () -> ()
      } else {
      }
      %not3A = arith.constant true
      %not3A_75 = arith.xori %lt3A_28, %not3A : i1
      %convert_element_type3A_76 = arith.extui %not3A_75 : i1 to i32
      %cond3A_77 = arith.constant 0 : i32
      %cond3A_78 = arith.cmpi ne, %convert_element_type3A_76, %cond3A_77 : i32
      scf.if %cond3A_78 {
        %sub3A_79 = arith.constant 64 : i32
        %sub3A_80 = arith.subi %add3A_16, %sub3A_79 : i32
        "tpu.region"() ({
          %run_scoped3A = tpu.sem_alloc : memref<!tpu.dma_semaphore, #tpu.memory_space<semaphore_mem>>
          %dma_start3A = arith.constant 0 : i32
          %dma_start3A_81 = tpu.memref_slice %arg7[%sub3A_80, %dma_start3A] : memref<4x89984xf32, #tpu.memory_space<hbm>> -> memref<1x89984xf32, #tpu.memory_space<hbm>>
          %dma_start3A_82 = tpu.memref_squeeze %dma_start3A_81 : memref<1x89984xf32, #tpu.memory_space<hbm>> -> memref<89984xf32, #tpu.memory_space<hbm>>
          %dma_start3A_83 = arith.constant 0 : i32
          %dma_start3A_84 = tpu.memref_slice %arg7[%sub3A_80, %dma_start3A_83] : memref<4x89984xf32, #tpu.memory_space<hbm>> -> memref<1x89984xf32, #tpu.memory_space<hbm>>
          %dma_start3A_85 = tpu.memref_squeeze %dma_start3A_84 : memref<1x89984xf32, #tpu.memory_space<hbm>> -> memref<89984xf32, #tpu.memory_space<hbm>>
          tpu.enqueue_dma source(%arg8 : memref<89984xf32, #tpu.memory_space<vmem>>) target(%dma_start3A_85 : memref<89984xf32, #tpu.memory_space<hbm>>) target_semaphore(%run_scoped3A : memref<!tpu.dma_semaphore, #tpu.memory_space<semaphore_mem>>)
          %dma_wait3A = arith.constant 0 : i32
          %dma_wait3A_86 = tpu.memref_slice %arg7[%sub3A_80, %dma_wait3A] : memref<4x89984xf32, #tpu.memory_space<hbm>> -> memref<1x89984xf32, #tpu.memory_space<hbm>>
          %dma_wait3A_87 = tpu.memref_squeeze %dma_wait3A_86 : memref<1x89984xf32, #tpu.memory_space<hbm>> -> memref<89984xf32, #tpu.memory_space<hbm>>
          %dma_wait3A_88 = arith.constant 0 : i32
          %dma_wait3A_89 = tpu.memref_slice %arg7[%sub3A_80, %dma_wait3A_88] : memref<4x89984xf32, #tpu.memory_space<hbm>> -> memref<1x89984xf32, #tpu.memory_space<hbm>>
          %dma_wait3A_90 = tpu.memref_squeeze %dma_wait3A_89 : memref<1x89984xf32, #tpu.memory_space<hbm>> -> memref<89984xf32, #tpu.memory_space<hbm>>
          tpu.wait_dma2 semaphore(%run_scoped3A : memref<!tpu.dma_semaphore, #tpu.memory_space<semaphore_mem>>) src(%arg8 : memref<89984xf32, #tpu.memory_space<vmem>>) dst(%dma_wait3A_90 : memref<89984xf32, #tpu.memory_space<hbm>>)
          tpu.yield
        }) : () -> ()
      } else {
      }
    } else {
    }
    return
  }
}

module attributes {stable_mosaic.version = 14 : i64} {
  func.func @_tmax_body(%arg0: memref<4x250000xf32, #tpu.memory_space<vmem>>, %arg1: memref<4x1xf32, #tpu.memory_space<vmem>>) attributes {dimension_semantics = [], scalar_prefetch = 0 : i64, scratch_operands = 0 : i64, tpu.core_type = #tpu.core_type<tc>} {
    %get3A = arith.constant 0 : index
    %get3A_0 = arith.constant 0 : index
    %get3A_1 = vector.load %arg0[%get3A, %get3A_0] : memref<4x250000xf32, #tpu.memory_space<vmem>>, vector<4x250000xf32>
    %reduce_max3A = arith.constant dense<0xFF800000> : vector<4xf32>
    %reduce_max3A_2 = vector.multi_reduction <maximumf>, %get3A_1, %reduce_max3A [1] : vector<4x250000xf32> to vector<4xf32>
    %broadcast_in_dim3A = vector.shape_cast %reduce_max3A_2 : vector<4xf32> to vector<4x1xf32>
    %swap3A = arith.constant 0 : index
    %swap3A_3 = arith.constant 0 : index
    %swap3A_4 = vector.load %arg1[%swap3A, %swap3A_3] : memref<4x1xf32, #tpu.memory_space<vmem>>, vector<4x1xf32>
    tpu.vector_store %arg1[%swap3A, %swap3A_3], %broadcast_in_dim3A {strides = array<i32>} : memref<4x1xf32, #tpu.memory_space<vmem>>, vector<4x1xf32>,
    return
  }
}

module attributes {stable_mosaic.version = 14 : i64} {
  func.func @_erode_body(%arg0: i32, %arg1: memref<1x16x260x346xf32, #tpu.memory_space<vmem>>, %arg2: memref<1x16x260x346xf32, #tpu.memory_space<vmem>>, %arg3: memref<262x348xf32, #tpu.memory_space<vmem>>) attributes {dimension_semantics = [#tpu.dimension_semantics<arbitrary>], iteration_bounds = array<i64: 4>, scalar_prefetch = 0 : i64, scratch_operands = 1 : i64, tpu.core_type = #tpu.core_type<tc>, window_params = [{transform_indices = @transform_0, window_bounds = array<i64: 1, 16, 260, 346>}, {transform_indices = @transform_1, window_bounds = array<i64: 1, 16, 260, 346>}]} {
    %broadcast_in_dim3A = arith.constant 0.000000e+00 : f32
    %broadcast_in_dim3A_0 = vector.broadcast %broadcast_in_dim3A : f32 to vector<262x348xf32>
    %swap3A = arith.constant 0 : index
    %swap3A_1 = arith.constant 0 : index
    %swap3A_2 = vector.load %arg3[%swap3A, %swap3A_1] : memref<262x348xf32, #tpu.memory_space<vmem>>, vector<262x348xf32>
    tpu.vector_store %arg3[%swap3A, %swap3A_1], %broadcast_in_dim3A_0 {strides = array<i32>} : memref<262x348xf32, #tpu.memory_space<vmem>>, vector<262x348xf32>,
    %get3A = arith.constant 0 : index
    %get3A_3 = arith.constant 0 : index
    %get3A_4 = arith.constant 0 : index
    %get3A_5 = arith.constant 0 : index
    %get3A_6 = vector.load %arg1[%get3A, %get3A_3, %get3A_4, %get3A_5] : memref<1x16x260x346xf32, #tpu.memory_space<vmem>>, vector<1x1x260x346xf32>
    %get3A_7 = vector.shape_cast %get3A_6 : vector<1x1x260x346xf32> to vector<260x346xf32>
    %swap3A_8 = arith.constant 0 : index
    %swap3A_9 = arith.constant 0 : index
    %swap3A_10 = arith.constant 0 : index
    %swap3A_11 = arith.constant 0 : index
    %swap3A_12 = vector.load %arg2[%swap3A_8, %swap3A_9, %swap3A_10, %swap3A_11] : memref<1x16x260x346xf32, #tpu.memory_space<vmem>>, vector<1x1x260x346xf32>
    %swap3A_13 = vector.shape_cast %swap3A_12 : vector<1x1x260x346xf32> to vector<260x346xf32>
    %swap3A_14 = vector.shape_cast %get3A_7 : vector<260x346xf32> to vector<1x1x260x346xf32>
    tpu.vector_store %arg2[%swap3A_8, %swap3A_9, %swap3A_10, %swap3A_11], %swap3A_14 {strides = array<i32>} : memref<1x16x260x346xf32, #tpu.memory_space<vmem>>, vector<1x1x260x346xf32>,
    %get3A_15 = arith.constant 0 : index
    %get3A_16 = arith.constant 1 : index
    %get3A_17 = arith.constant 0 : index
    %get3A_18 = arith.constant 0 : index
    %get3A_19 = vector.load %arg1[%get3A_15, %get3A_16, %get3A_17, %get3A_18] : memref<1x16x260x346xf32, #tpu.memory_space<vmem>>, vector<1x1x260x346xf32>
    %get3A_20 = vector.shape_cast %get3A_19 : vector<1x1x260x346xf32> to vector<260x346xf32>
    %mul3A = arith.constant 1.437500e+00 : f32
    %mul3A_21 = vector.broadcast %mul3A : f32 to vector<260x346xf32>
    %mul3A_22 = arith.mulf %get3A_20, %mul3A_21 : vector<260x346xf32>
    %mul3A_23 = arith.constant 6.250000e-02 : f32
    %mul3A_24 = vector.broadcast %mul3A_23 : f32 to vector<260x346xf32>
    %mul3A_25 = arith.mulf %get3A_7, %mul3A_24 : vector<260x346xf32>
    %add3A = arith.addf %mul3A_22, %mul3A_25 : vector<260x346xf32>
    %swap3A_26 = arith.constant 1 : index
    %swap3A_27 = arith.constant 1 : index
    %swap3A_28 = vector.load %arg3[%swap3A_26, %swap3A_27] : memref<262x348xf32, #tpu.memory_space<vmem>>, vector<260x346xf32>
    tpu.vector_store %arg3[%swap3A_26, %swap3A_27], %add3A {strides = array<i32>} : memref<262x348xf32, #tpu.memory_space<vmem>>, vector<260x346xf32>,
    %get3A_29 = arith.constant 0 : index
    %get3A_30 = arith.constant 0 : index
    %get3A_31 = vector.load %arg3[%get3A_29, %get3A_30] : memref<262x348xf32, #tpu.memory_space<vmem>>, vector<260x346xf32>
    %get3A_32 = arith.constant 0 : index
    %get3A_33 = arith.constant 1 : index
    %get3A_34 = vector.load %arg3[%get3A_32, %get3A_33] : memref<262x348xf32, #tpu.memory_space<vmem>>, vector<260x346xf32>
    %add3A_35 = arith.addf %get3A_31, %get3A_34 : vector<260x346xf32>
    %get3A_36 = arith.constant 0 : index
    %get3A_37 = arith.constant 2 : index
    %get3A_38 = vector.load %arg3[%get3A_36, %get3A_37] : memref<262x348xf32, #tpu.memory_space<vmem>>, vector<260x346xf32>
    %add3A_39 = arith.addf %add3A_35, %get3A_38 : vector<260x346xf32>
    %get3A_40 = arith.constant 1 : index
    %get3A_41 = arith.constant 0 : index
    %get3A_42 = vector.load %arg3[%get3A_40, %get3A_41] : memref<262x348xf32, #tpu.memory_space<vmem>>, vector<260x346xf32>
    %add3A_43 = arith.addf %add3A_39, %get3A_42 : vector<260x346xf32>
    %get3A_44 = arith.constant 1 : index
    %get3A_45 = arith.constant 2 : index
    %get3A_46 = vector.load %arg3[%get3A_44, %get3A_45] : memref<262x348xf32, #tpu.memory_space<vmem>>, vector<260x346xf32>
    %add3A_47 = arith.addf %add3A_43, %get3A_46 : vector<260x346xf32>
    %get3A_48 = arith.constant 2 : index
    %get3A_49 = arith.constant 0 : index
    %get3A_50 = vector.load %arg3[%get3A_48, %get3A_49] : memref<262x348xf32, #tpu.memory_space<vmem>>, vector<260x346xf32>
    %add3A_51 = arith.addf %add3A_47, %get3A_50 : vector<260x346xf32>
    %get3A_52 = arith.constant 2 : index
    %get3A_53 = arith.constant 1 : index
    %get3A_54 = vector.load %arg3[%get3A_52, %get3A_53] : memref<262x348xf32, #tpu.memory_space<vmem>>, vector<260x346xf32>
    %add3A_55 = arith.addf %add3A_51, %get3A_54 : vector<260x346xf32>
    %get3A_56 = arith.constant 2 : index
    %get3A_57 = arith.constant 2 : index
    %get3A_58 = vector.load %arg3[%get3A_56, %get3A_57] : memref<262x348xf32, #tpu.memory_space<vmem>>, vector<260x346xf32>
    %add3A_59 = arith.addf %add3A_55, %get3A_58 : vector<260x346xf32>
    %mul3A_60 = arith.constant 1.250000e-01 : f32
    %mul3A_61 = vector.broadcast %mul3A_60 : f32 to vector<260x346xf32>
    %mul3A_62 = arith.mulf %add3A_59, %mul3A_61 : vector<260x346xf32>
    %sub3A = arith.constant 2.500000e-01 : f32
    %sub3A_63 = vector.broadcast %sub3A : f32 to vector<260x346xf32>
    %sub3A_64 = arith.subf %mul3A_62, %sub3A_63 : vector<260x346xf32>
    %swap3A_65 = arith.constant 0 : index
    %swap3A_66 = arith.constant 1 : index
    %swap3A_67 = arith.constant 0 : index
    %swap3A_68 = arith.constant 0 : index
    %swap3A_69 = vector.load %arg2[%swap3A_65, %swap3A_66, %swap3A_67, %swap3A_68] : memref<1x16x260x346xf32, #tpu.memory_space<vmem>>, vector<1x1x260x346xf32>
    %swap3A_70 = vector.shape_cast %swap3A_69 : vector<1x1x260x346xf32> to vector<260x346xf32>
    %swap3A_71 = vector.shape_cast %sub3A_64 : vector<260x346xf32> to vector<1x1x260x346xf32>
    tpu.vector_store %arg2[%swap3A_65, %swap3A_66, %swap3A_67, %swap3A_68], %swap3A_71 {strides = array<i32>} : memref<1x16x260x346xf32, #tpu.memory_space<vmem>>, vector<1x1x260x346xf32>,
    %get3A_72 = arith.constant 0 : index
    %get3A_73 = arith.constant 2 : index
    %get3A_74 = arith.constant 0 : index
    %get3A_75 = arith.constant 0 : index
    %get3A_76 = vector.load %arg1[%get3A_72, %get3A_73, %get3A_74, %get3A_75] : memref<1x16x260x346xf32, #tpu.memory_space<vmem>>, vector<1x1x260x346xf32>
    %get3A_77 = vector.shape_cast %get3A_76 : vector<1x1x260x346xf32> to vector<260x346xf32>
    %mul3A_78 = arith.constant 1.375000e+00 : f32
    %mul3A_79 = vector.broadcast %mul3A_78 : f32 to vector<260x346xf32>
    %mul3A_80 = arith.mulf %get3A_77, %mul3A_79 : vector<260x346xf32>
    %mul3A_81 = arith.constant 1.250000e-01 : f32
    %mul3A_82 = vector.broadcast %mul3A_81 : f32 to vector<260x346xf32>
    %mul3A_83 = arith.mulf %sub3A_64, %mul3A_82 : vector<260x346xf32>
    %add3A_84 = arith.addf %mul3A_80, %mul3A_83 : vector<260x346xf32>
    %swap3A_85 = arith.constant 1 : index
    %swap3A_86 = arith.constant 1 : index
    %swap3A_87 = vector.load %arg3[%swap3A_85, %swap3A_86] : memref<262x348xf32, #tpu.memory_space<vmem>>, vector<260x346xf32>
    tpu.vector_store %arg3[%swap3A_85, %swap3A_86], %add3A_84 {strides = array<i32>} : memref<262x348xf32, #tpu.memory_space<vmem>>, vector<260x346xf32>,
    %get3A_88 = arith.constant 0 : index
    %get3A_89 = arith.constant 0 : index
    %get3A_90 = vector.load %arg3[%get3A_88, %get3A_89] : memref<262x348xf32, #tpu.memory_space<vmem>>, vector<260x346xf32>
    %get3A_91 = arith.constant 0 : index
    %get3A_92 = arith.constant 1 : index
    %get3A_93 = vector.load %arg3[%get3A_91, %get3A_92] : memref<262x348xf32, #tpu.memory_space<vmem>>, vector<260x346xf32>
    %add3A_94 = arith.addf %get3A_90, %get3A_93 : vector<260x346xf32>
    %get3A_95 = arith.constant 0 : index
    %get3A_96 = arith.constant 2 : index
    %get3A_97 = vector.load %arg3[%get3A_95, %get3A_96] : memref<262x348xf32, #tpu.memory_space<vmem>>, vector<260x346xf32>
    %add3A_98 = arith.addf %add3A_94, %get3A_97 : vector<260x346xf32>
    %get3A_99 = arith.constant 1 : index
    %get3A_100 = arith.constant 0 : index
    %get3A_101 = vector.load %arg3[%get3A_99, %get3A_100] : memref<262x348xf32, #tpu.memory_space<vmem>>, vector<260x346xf32>
    %add3A_102 = arith.addf %add3A_98, %get3A_101 : vector<260x346xf32>
    %get3A_103 = arith.constant 1 : index
    %get3A_104 = arith.constant 2 : index
    %get3A_105 = vector.load %arg3[%get3A_103, %get3A_104] : memref<262x348xf32, #tpu.memory_space<vmem>>, vector<260x346xf32>
    %add3A_106 = arith.addf %add3A_102, %get3A_105 : vector<260x346xf32>
    %get3A_107 = arith.constant 2 : index
    %get3A_108 = arith.constant 0 : index
    %get3A_109 = vector.load %arg3[%get3A_107, %get3A_108] : memref<262x348xf32, #tpu.memory_space<vmem>>, vector<260x346xf32>
    %add3A_110 = arith.addf %add3A_106, %get3A_109 : vector<260x346xf32>
    %get3A_111 = arith.constant 2 : index
    %get3A_112 = arith.constant 1 : index
    %get3A_113 = vector.load %arg3[%get3A_111, %get3A_112] : memref<262x348xf32, #tpu.memory_space<vmem>>, vector<260x346xf32>
    %add3A_114 = arith.addf %add3A_110, %get3A_113 : vector<260x346xf32>
    %get3A_115 = arith.constant 2 : index
    %get3A_116 = arith.constant 2 : index
    %get3A_117 = vector.load %arg3[%get3A_115, %get3A_116] : memref<262x348xf32, #tpu.memory_space<vmem>>, vector<260x346xf32>
    %add3A_118 = arith.addf %add3A_114, %get3A_117 : vector<260x346xf32>
    %mul3A_119 = arith.constant 1.250000e-01 : f32
    %mul3A_120 = vector.broadcast %mul3A_119 : f32 to vector<260x346xf32>
    %mul3A_121 = arith.mulf %add3A_118, %mul3A_120 : vector<260x346xf32>
    %sub3A_122 = arith.constant 2.500000e-01 : f32
    %sub3A_123 = vector.broadcast %sub3A_122 : f32 to vector<260x346xf32>
    %sub3A_124 = arith.subf %mul3A_121, %sub3A_123 : vector<260x346xf32>
    %swap3A_125 = arith.constant 0 : index
    %swap3A_126 = arith.constant 2 : index
    %swap3A_127 = arith.constant 0 : index
    %swap3A_128 = arith.constant 0 : index
    %swap3A_129 = vector.load %arg2[%swap3A_125, %swap3A_126, %swap3A_127, %swap3A_128] : memref<1x16x260x346xf32, #tpu.memory_space<vmem>>, vector<1x1x260x346xf32>
    %swap3A_130 = vector.shape_cast %swap3A_129 : vector<1x1x260x346xf32> to vector<260x346xf32>
    %swap3A_131 = vector.shape_cast %sub3A_124 : vector<260x346xf32> to vector<1x1x260x346xf32>
    tpu.vector_store %arg2[%swap3A_125, %swap3A_126, %swap3A_127, %swap3A_128], %swap3A_131 {strides = array<i32>} : memref<1x16x260x346xf32, #tpu.memory_space<vmem>>, vector<1x1x260x346xf32>,
    %get3A_132 = arith.constant 0 : index
    %get3A_133 = arith.constant 3 : index
    %get3A_134 = arith.constant 0 : index
    %get3A_135 = arith.constant 0 : index
    %get3A_136 = vector.load %arg1[%get3A_132, %get3A_133, %get3A_134, %get3A_135] : memref<1x16x260x346xf32, #tpu.memory_space<vmem>>, vector<1x1x260x346xf32>
    %get3A_137 = vector.shape_cast %get3A_136 : vector<1x1x260x346xf32> to vector<260x346xf32>
    %mul3A_138 = arith.constant 1.312500e+00 : f32
    %mul3A_139 = vector.broadcast %mul3A_138 : f32 to vector<260x346xf32>
    %mul3A_140 = arith.mulf %get3A_137, %mul3A_139 : vector<260x346xf32>
    %mul3A_141 = arith.constant 1.875000e-01 : f32
    %mul3A_142 = vector.broadcast %mul3A_141 : f32 to vector<260x346xf32>
    %mul3A_143 = arith.mulf %sub3A_124, %mul3A_142 : vector<260x346xf32>
    %add3A_144 = arith.addf %mul3A_140, %mul3A_143 : vector<260x346xf32>
    %swap3A_145 = arith.constant 1 : index
    %swap3A_146 = arith.constant 1 : index
    %swap3A_147 = vector.load %arg3[%swap3A_145, %swap3A_146] : memref<262x348xf32, #tpu.memory_space<vmem>>, vector<260x346xf32>
    tpu.vector_store %arg3[%swap3A_145, %swap3A_146], %add3A_144 {strides = array<i32>} : memref<262x348xf32, #tpu.memory_space<vmem>>, vector<260x346xf32>,
    %get3A_148 = arith.constant 0 : index
    %get3A_149 = arith.constant 0 : index
    %get3A_150 = vector.load %arg3[%get3A_148, %get3A_149] : memref<262x348xf32, #tpu.memory_space<vmem>>, vector<260x346xf32>
    %get3A_151 = arith.constant 0 : index
    %get3A_152 = arith.constant 1 : index
    %get3A_153 = vector.load %arg3[%get3A_151, %get3A_152] : memref<262x348xf32, #tpu.memory_space<vmem>>, vector<260x346xf32>
    %add3A_154 = arith.addf %get3A_150, %get3A_153 : vector<260x346xf32>
    %get3A_155 = arith.constant 0 : index
    %get3A_156 = arith.constant 2 : index
    %get3A_157 = vector.load %arg3[%get3A_155, %get3A_156] : memref<262x348xf32, #tpu.memory_space<vmem>>, vector<260x346xf32>
    %add3A_158 = arith.addf %add3A_154, %get3A_157 : vector<260x346xf32>
    %get3A_159 = arith.constant 1 : index
    %get3A_160 = arith.constant 0 : index
    %get3A_161 = vector.load %arg3[%get3A_159, %get3A_160] : memref<262x348xf32, #tpu.memory_space<vmem>>, vector<260x346xf32>
    %add3A_162 = arith.addf %add3A_158, %get3A_161 : vector<260x346xf32>
    %get3A_163 = arith.constant 1 : index
    %get3A_164 = arith.constant 2 : index
    %get3A_165 = vector.load %arg3[%get3A_163, %get3A_164] : memref<262x348xf32, #tpu.memory_space<vmem>>, vector<260x346xf32>
    %add3A_166 = arith.addf %add3A_162, %get3A_165 : vector<260x346xf32>
    %get3A_167 = arith.constant 2 : index
    %get3A_168 = arith.constant 0 : index
    %get3A_169 = vector.load %arg3[%get3A_167, %get3A_168] : memref<262x348xf32, #tpu.memory_space<vmem>>, vector<260x346xf32>
    %add3A_170 = arith.addf %add3A_166, %get3A_169 : vector<260x346xf32>
    %get3A_171 = arith.constant 2 : index
    %get3A_172 = arith.constant 1 : index
    %get3A_173 = vector.load %arg3[%get3A_171, %get3A_172] : memref<262x348xf32, #tpu.memory_space<vmem>>, vector<260x346xf32>
    %add3A_174 = arith.addf %add3A_170, %get3A_173 : vector<260x346xf32>
    %get3A_175 = arith.constant 2 : index
    %get3A_176 = arith.constant 2 : index
    %get3A_177 = vector.load %arg3[%get3A_175, %get3A_176] : memref<262x348xf32, #tpu.memory_space<vmem>>, vector<260x346xf32>
    %add3A_178 = arith.addf %add3A_174, %get3A_177 : vector<260x346xf32>
    %mul3A_179 = arith.constant 1.250000e-01 : f32
    %mul3A_180 = vector.broadcast %mul3A_179 : f32 to vector<260x346xf32>
    %mul3A_181 = arith.mulf %add3A_178, %mul3A_180 : vector<260x346xf32>
    %sub3A_182 = arith.constant 2.500000e-01 : f32
    %sub3A_183 = vector.broadcast %sub3A_182 : f32 to vector<260x346xf32>
    %sub3A_184 = arith.subf %mul3A_181, %sub3A_183 : vector<260x346xf32>
    %swap3A_185 = arith.constant 0 : index
    %swap3A_186 = arith.constant 3 : index
    %swap3A_187 = arith.constant 0 : index
    %swap3A_188 = arith.constant 0 : index
    %swap3A_189 = vector.load %arg2[%swap3A_185, %swap3A_186, %swap3A_187, %swap3A_188] : memref<1x16x260x346xf32, #tpu.memory_space<vmem>>, vector<1x1x260x346xf32>
    %swap3A_190 = vector.shape_cast %swap3A_189 : vector<1x1x260x346xf32> to vector<260x346xf32>
    %swap3A_191 = vector.shape_cast %sub3A_184 : vector<260x346xf32> to vector<1x1x260x346xf32>
    tpu.vector_store %arg2[%swap3A_185, %swap3A_186, %swap3A_187, %swap3A_188], %swap3A_191 {strides = array<i32>} : memref<1x16x260x346xf32, #tpu.memory_space<vmem>>, vector<1x1x260x346xf32>,
    %get3A_192 = arith.constant 0 : index
    %get3A_193 = arith.constant 4 : index
    %get3A_194 = arith.constant 0 : index
    %get3A_195 = arith.constant 0 : index
    %get3A_196 = vector.load %arg1[%get3A_192, %get3A_193, %get3A_194, %get3A_195] : memref<1x16x260x346xf32, #tpu.memory_space<vmem>>, vector<1x1x260x346xf32>
    %get3A_197 = vector.shape_cast %get3A_196 : vector<1x1x260x346xf32> to vector<260x346xf32>
    %mul3A_198 = arith.constant 1.250000e+00 : f32
    %mul3A_199 = vector.broadcast %mul3A_198 : f32 to vector<260x346xf32>
    %mul3A_200 = arith.mulf %get3A_197, %mul3A_199 : vector<260x346xf32>
    %mul3A_201 = arith.constant 2.500000e-01 : f32
    %mul3A_202 = vector.broadcast %mul3A_201 : f32 to vector<260x346xf32>
    %mul3A_203 = arith.mulf %sub3A_184, %mul3A_202 : vector<260x346xf32>
    %add3A_204 = arith.addf %mul3A_200, %mul3A_203 : vector<260x346xf32>
    %swap3A_205 = arith.constant 1 : index
    %swap3A_206 = arith.constant 1 : index
    %swap3A_207 = vector.load %arg3[%swap3A_205, %swap3A_206] : memref<262x348xf32, #tpu.memory_space<vmem>>, vector<260x346xf32>
    tpu.vector_store %arg3[%swap3A_205, %swap3A_206], %add3A_204 {strides = array<i32>} : memref<262x348xf32, #tpu.memory_space<vmem>>, vector<260x346xf32>,
    %get3A_208 = arith.constant 0 : index
    %get3A_209 = arith.constant 0 : index
    %get3A_210 = vector.load %arg3[%get3A_208, %get3A_209] : memref<262x348xf32, #tpu.memory_space<vmem>>, vector<260x346xf32>
    %get3A_211 = arith.constant 0 : index
    %get3A_212 = arith.constant 1 : index
    %get3A_213 = vector.load %arg3[%get3A_211, %get3A_212] : memref<262x348xf32, #tpu.memory_space<vmem>>, vector<260x346xf32>
    %add3A_214 = arith.addf %get3A_210, %get3A_213 : vector<260x346xf32>
    %get3A_215 = arith.constant 0 : index
    %get3A_216 = arith.constant 2 : index
    %get3A_217 = vector.load %arg3[%get3A_215, %get3A_216] : memref<262x348xf32, #tpu.memory_space<vmem>>, vector<260x346xf32>
    %add3A_218 = arith.addf %add3A_214, %get3A_217 : vector<260x346xf32>
    %get3A_219 = arith.constant 1 : index
    %get3A_220 = arith.constant 0 : index
    %get3A_221 = vector.load %arg3[%get3A_219, %get3A_220] : memref<262x348xf32, #tpu.memory_space<vmem>>, vector<260x346xf32>
    %add3A_222 = arith.addf %add3A_218, %get3A_221 : vector<260x346xf32>
    %get3A_223 = arith.constant 1 : index
    %get3A_224 = arith.constant 2 : index
    %get3A_225 = vector.load %arg3[%get3A_223, %get3A_224] : memref<262x348xf32, #tpu.memory_space<vmem>>, vector<260x346xf32>
    %add3A_226 = arith.addf %add3A_222, %get3A_225 : vector<260x346xf32>
    %get3A_227 = arith.constant 2 : index
    %get3A_228 = arith.constant 0 : index
    %get3A_229 = vector.load %arg3[%get3A_227, %get3A_228] : memref<262x348xf32, #tpu.memory_space<vmem>>, vector<260x346xf32>
    %add3A_230 = arith.addf %add3A_226, %get3A_229 : vector<260x346xf32>
    %get3A_231 = arith.constant 2 : index
    %get3A_232 = arith.constant 1 : index
    %get3A_233 = vector.load %arg3[%get3A_231, %get3A_232] : memref<262x348xf32, #tpu.memory_space<vmem>>, vector<260x346xf32>
    %add3A_234 = arith.addf %add3A_230, %get3A_233 : vector<260x346xf32>
    %get3A_235 = arith.constant 2 : index
    %get3A_236 = arith.constant 2 : index
    %get3A_237 = vector.load %arg3[%get3A_235, %get3A_236] : memref<262x348xf32, #tpu.memory_space<vmem>>, vector<260x346xf32>
    %add3A_238 = arith.addf %add3A_234, %get3A_237 : vector<260x346xf32>
    %mul3A_239 = arith.constant 1.250000e-01 : f32
    %mul3A_240 = vector.broadcast %mul3A_239 : f32 to vector<260x346xf32>
    %mul3A_241 = arith.mulf %add3A_238, %mul3A_240 : vector<260x346xf32>
    %sub3A_242 = arith.constant 2.500000e-01 : f32
    %sub3A_243 = vector.broadcast %sub3A_242 : f32 to vector<260x346xf32>
    %sub3A_244 = arith.subf %mul3A_241, %sub3A_243 : vector<260x346xf32>
    %swap3A_245 = arith.constant 0 : index
    %swap3A_246 = arith.constant 4 : index
    %swap3A_247 = arith.constant 0 : index
    %swap3A_248 = arith.constant 0 : index
    %swap3A_249 = vector.load %arg2[%swap3A_245, %swap3A_246, %swap3A_247, %swap3A_248] : memref<1x16x260x346xf32, #tpu.memory_space<vmem>>, vector<1x1x260x346xf32>
    %swap3A_250 = vector.shape_cast %swap3A_249 : vector<1x1x260x346xf32> to vector<260x346xf32>
    %swap3A_251 = vector.shape_cast %sub3A_244 : vector<260x346xf32> to vector<1x1x260x346xf32>
    tpu.vector_store %arg2[%swap3A_245, %swap3A_246, %swap3A_247, %swap3A_248], %swap3A_251 {strides = array<i32>} : memref<1x16x260x346xf32, #tpu.memory_space<vmem>>, vector<1x1x260x346xf32>,
    %get3A_252 = arith.constant 0 : index
    %get3A_253 = arith.constant 5 : index
    %get3A_254 = arith.constant 0 : index
    %get3A_255 = arith.constant 0 : index
    %get3A_256 = vector.load %arg1[%get3A_252, %get3A_253, %get3A_254, %get3A_255] : memref<1x16x260x346xf32, #tpu.memory_space<vmem>>, vector<1x1x260x346xf32>
    %get3A_257 = vector.shape_cast %get3A_256 : vector<1x1x260x346xf32> to vector<260x346xf32>
    %mul3A_258 = arith.constant 1.187500e+00 : f32
    %mul3A_259 = vector.broadcast %mul3A_258 : f32 to vector<260x346xf32>
    %mul3A_260 = arith.mulf %get3A_257, %mul3A_259 : vector<260x346xf32>
    %mul3A_261 = arith.constant 3.125000e-01 : f32
    %mul3A_262 = vector.broadcast %mul3A_261 : f32 to vector<260x346xf32>
    %mul3A_263 = arith.mulf %sub3A_244, %mul3A_262 : vector<260x346xf32>
    %add3A_264 = arith.addf %mul3A_260, %mul3A_263 : vector<260x346xf32>
    %swap3A_265 = arith.constant 1 : index
    %swap3A_266 = arith.constant 1 : index
    %swap3A_267 = vector.load %arg3[%swap3A_265, %swap3A_266] : memref<262x348xf32, #tpu.memory_space<vmem>>, vector<260x346xf32>
    tpu.vector_store %arg3[%swap3A_265, %swap3A_266], %add3A_264 {strides = array<i32>} : memref<262x348xf32, #tpu.memory_space<vmem>>, vector<260x346xf32>,
    %get3A_268 = arith.constant 0 : index
    %get3A_269 = arith.constant 0 : index
    %get3A_270 = vector.load %arg3[%get3A_268, %get3A_269] : memref<262x348xf32, #tpu.memory_space<vmem>>, vector<260x346xf32>
    %get3A_271 = arith.constant 0 : index
    %get3A_272 = arith.constant 1 : index
    %get3A_273 = vector.load %arg3[%get3A_271, %get3A_272] : memref<262x348xf32, #tpu.memory_space<vmem>>, vector<260x346xf32>
    %add3A_274 = arith.addf %get3A_270, %get3A_273 : vector<260x346xf32>
    %get3A_275 = arith.constant 0 : index
    %get3A_276 = arith.constant 2 : index
    %get3A_277 = vector.load %arg3[%get3A_275, %get3A_276] : memref<262x348xf32, #tpu.memory_space<vmem>>, vector<260x346xf32>
    %add3A_278 = arith.addf %add3A_274, %get3A_277 : vector<260x346xf32>
    %get3A_279 = arith.constant 1 : index
    %get3A_280 = arith.constant 0 : index
    %get3A_281 = vector.load %arg3[%get3A_279, %get3A_280] : memref<262x348xf32, #tpu.memory_space<vmem>>, vector<260x346xf32>
    %add3A_282 = arith.addf %add3A_278, %get3A_281 : vector<260x346xf32>
    %get3A_283 = arith.constant 1 : index
    %get3A_284 = arith.constant 2 : index
    %get3A_285 = vector.load %arg3[%get3A_283, %get3A_284] : memref<262x348xf32, #tpu.memory_space<vmem>>, vector<260x346xf32>
    %add3A_286 = arith.addf %add3A_282, %get3A_285 : vector<260x346xf32>
    %get3A_287 = arith.constant 2 : index
    %get3A_288 = arith.constant 0 : index
    %get3A_289 = vector.load %arg3[%get3A_287, %get3A_288] : memref<262x348xf32, #tpu.memory_space<vmem>>, vector<260x346xf32>
    %add3A_290 = arith.addf %add3A_286, %get3A_289 : vector<260x346xf32>
    %get3A_291 = arith.constant 2 : index
    %get3A_292 = arith.constant 1 : index
    %get3A_293 = vector.load %arg3[%get3A_291, %get3A_292] : memref<262x348xf32, #tpu.memory_space<vmem>>, vector<260x346xf32>
    %add3A_294 = arith.addf %add3A_290, %get3A_293 : vector<260x346xf32>
    %get3A_295 = arith.constant 2 : index
    %get3A_296 = arith.constant 2 : index
    %get3A_297 = vector.load %arg3[%get3A_295, %get3A_296] : memref<262x348xf32, #tpu.memory_space<vmem>>, vector<260x346xf32>
    %add3A_298 = arith.addf %add3A_294, %get3A_297 : vector<260x346xf32>
    %mul3A_299 = arith.constant 1.250000e-01 : f32
    %mul3A_300 = vector.broadcast %mul3A_299 : f32 to vector<260x346xf32>
    %mul3A_301 = arith.mulf %add3A_298, %mul3A_300 : vector<260x346xf32>
    %sub3A_302 = arith.constant 2.500000e-01 : f32
    %sub3A_303 = vector.broadcast %sub3A_302 : f32 to vector<260x346xf32>
    %sub3A_304 = arith.subf %mul3A_301, %sub3A_303 : vector<260x346xf32>
    %swap3A_305 = arith.constant 0 : index
    %swap3A_306 = arith.constant 5 : index
    %swap3A_307 = arith.constant 0 : index
    %swap3A_308 = arith.constant 0 : index
    %swap3A_309 = vector.load %arg2[%swap3A_305, %swap3A_306, %swap3A_307, %swap3A_308] : memref<1x16x260x346xf32, #tpu.memory_space<vmem>>, vector<1x1x260x346xf32>
    %swap3A_310 = vector.shape_cast %swap3A_309 : vector<1x1x260x346xf32> to vector<260x346xf32>
    %swap3A_311 = vector.shape_cast %sub3A_304 : vector<260x346xf32> to vector<1x1x260x346xf32>
    tpu.vector_store %arg2[%swap3A_305, %swap3A_306, %swap3A_307, %swap3A_308], %swap3A_311 {strides = array<i32>} : memref<1x16x260x346xf32, #tpu.memory_space<vmem>>, vector<1x1x260x346xf32>,
    %get3A_312 = arith.constant 0 : index
    %get3A_313 = arith.constant 6 : index
    %get3A_314 = arith.constant 0 : index
    %get3A_315 = arith.constant 0 : index
    %get3A_316 = vector.load %arg1[%get3A_312, %get3A_313, %get3A_314, %get3A_315] : memref<1x16x260x346xf32, #tpu.memory_space<vmem>>, vector<1x1x260x346xf32>
    %get3A_317 = vector.shape_cast %get3A_316 : vector<1x1x260x346xf32> to vector<260x346xf32>
    %mul3A_318 = arith.constant 1.125000e+00 : f32
    %mul3A_319 = vector.broadcast %mul3A_318 : f32 to vector<260x346xf32>
    %mul3A_320 = arith.mulf %get3A_317, %mul3A_319 : vector<260x346xf32>
    %mul3A_321 = arith.constant 3.750000e-01 : f32
    %mul3A_322 = vector.broadcast %mul3A_321 : f32 to vector<260x346xf32>
    %mul3A_323 = arith.mulf %sub3A_304, %mul3A_322 : vector<260x346xf32>
    %add3A_324 = arith.addf %mul3A_320, %mul3A_323 : vector<260x346xf32>
    %swap3A_325 = arith.constant 1 : index
    %swap3A_326 = arith.constant 1 : index
    %swap3A_327 = vector.load %arg3[%swap3A_325, %swap3A_326] : memref<262x348xf32, #tpu.memory_space<vmem>>, vector<260x346xf32>
    tpu.vector_store %arg3[%swap3A_325, %swap3A_326], %add3A_324 {strides = array<i32>} : memref<262x348xf32, #tpu.memory_space<vmem>>, vector<260x346xf32>,
    %get3A_328 = arith.constant 0 : index
    %get3A_329 = arith.constant 0 : index
    %get3A_330 = vector.load %arg3[%get3A_328, %get3A_329] : memref<262x348xf32, #tpu.memory_space<vmem>>, vector<260x346xf32>
    %get3A_331 = arith.constant 0 : index
    %get3A_332 = arith.constant 1 : index
    %get3A_333 = vector.load %arg3[%get3A_331, %get3A_332] : memref<262x348xf32, #tpu.memory_space<vmem>>, vector<260x346xf32>
    %add3A_334 = arith.addf %get3A_330, %get3A_333 : vector<260x346xf32>
    %get3A_335 = arith.constant 0 : index
    %get3A_336 = arith.constant 2 : index
    %get3A_337 = vector.load %arg3[%get3A_335, %get3A_336] : memref<262x348xf32, #tpu.memory_space<vmem>>, vector<260x346xf32>
    %add3A_338 = arith.addf %add3A_334, %get3A_337 : vector<260x346xf32>
    %get3A_339 = arith.constant 1 : index
    %get3A_340 = arith.constant 0 : index
    %get3A_341 = vector.load %arg3[%get3A_339, %get3A_340] : memref<262x348xf32, #tpu.memory_space<vmem>>, vector<260x346xf32>
    %add3A_342 = arith.addf %add3A_338, %get3A_341 : vector<260x346xf32>
    %get3A_343 = arith.constant 1 : index
    %get3A_344 = arith.constant 2 : index
    %get3A_345 = vector.load %arg3[%get3A_343, %get3A_344] : memref<262x348xf32, #tpu.memory_space<vmem>>, vector<260x346xf32>
    %add3A_346 = arith.addf %add3A_342, %get3A_345 : vector<260x346xf32>
    %get3A_347 = arith.constant 2 : index
    %get3A_348 = arith.constant 0 : index
    %get3A_349 = vector.load %arg3[%get3A_347, %get3A_348] : memref<262x348xf32, #tpu.memory_space<vmem>>, vector<260x346xf32>
    %add3A_350 = arith.addf %add3A_346, %get3A_349 : vector<260x346xf32>
    %get3A_351 = arith.constant 2 : index
    %get3A_352 = arith.constant 1 : index
    %get3A_353 = vector.load %arg3[%get3A_351, %get3A_352] : memref<262x348xf32, #tpu.memory_space<vmem>>, vector<260x346xf32>
    %add3A_354 = arith.addf %add3A_350, %get3A_353 : vector<260x346xf32>
    %get3A_355 = arith.constant 2 : index
    %get3A_356 = arith.constant 2 : index
    %get3A_357 = vector.load %arg3[%get3A_355, %get3A_356] : memref<262x348xf32, #tpu.memory_space<vmem>>, vector<260x346xf32>
    %add3A_358 = arith.addf %add3A_354, %get3A_357 : vector<260x346xf32>
    %mul3A_359 = arith.constant 1.250000e-01 : f32
    %mul3A_360 = vector.broadcast %mul3A_359 : f32 to vector<260x346xf32>
    %mul3A_361 = arith.mulf %add3A_358, %mul3A_360 : vector<260x346xf32>
    %sub3A_362 = arith.constant 2.500000e-01 : f32
    %sub3A_363 = vector.broadcast %sub3A_362 : f32 to vector<260x346xf32>
    %sub3A_364 = arith.subf %mul3A_361, %sub3A_363 : vector<260x346xf32>
    %swap3A_365 = arith.constant 0 : index
    %swap3A_366 = arith.constant 6 : index
    %swap3A_367 = arith.constant 0 : index
    %swap3A_368 = arith.constant 0 : index
    %swap3A_369 = vector.load %arg2[%swap3A_365, %swap3A_366, %swap3A_367, %swap3A_368] : memref<1x16x260x346xf32, #tpu.memory_space<vmem>>, vector<1x1x260x346xf32>
    %swap3A_370 = vector.shape_cast %swap3A_369 : vector<1x1x260x346xf32> to vector<260x346xf32>
    %swap3A_371 = vector.shape_cast %sub3A_364 : vector<260x346xf32> to vector<1x1x260x346xf32>
    tpu.vector_store %arg2[%swap3A_365, %swap3A_366, %swap3A_367, %swap3A_368], %swap3A_371 {strides = array<i32>} : memref<1x16x260x346xf32, #tpu.memory_space<vmem>>, vector<1x1x260x346xf32>,
    %get3A_372 = arith.constant 0 : index
    %get3A_373 = arith.constant 7 : index
    %get3A_374 = arith.constant 0 : index
    %get3A_375 = arith.constant 0 : index
    %get3A_376 = vector.load %arg1[%get3A_372, %get3A_373, %get3A_374, %get3A_375] : memref<1x16x260x346xf32, #tpu.memory_space<vmem>>, vector<1x1x260x346xf32>
    %get3A_377 = vector.shape_cast %get3A_376 : vector<1x1x260x346xf32> to vector<260x346xf32>
    %mul3A_378 = arith.constant 1.062500e+00 : f32
    %mul3A_379 = vector.broadcast %mul3A_378 : f32 to vector<260x346xf32>
    %mul3A_380 = arith.mulf %get3A_377, %mul3A_379 : vector<260x346xf32>
    %mul3A_381 = arith.constant 4.375000e-01 : f32
    %mul3A_382 = vector.broadcast %mul3A_381 : f32 to vector<260x346xf32>
    %mul3A_383 = arith.mulf %sub3A_364, %mul3A_382 : vector<260x346xf32>
    %add3A_384 = arith.addf %mul3A_380, %mul3A_383 : vector<260x346xf32>
    %swap3A_385 = arith.constant 1 : index
    %swap3A_386 = arith.constant 1 : index
    %swap3A_387 = vector.load %arg3[%swap3A_385, %swap3A_386] : memref<262x348xf32, #tpu.memory_space<vmem>>, vector<260x346xf32>
    tpu.vector_store %arg3[%swap3A_385, %swap3A_386], %add3A_384 {strides = array<i32>} : memref<262x348xf32, #tpu.memory_space<vmem>>, vector<260x346xf32>,
    %get3A_388 = arith.constant 0 : index
    %get3A_389 = arith.constant 0 : index
    %get3A_390 = vector.load %arg3[%get3A_388, %get3A_389] : memref<262x348xf32, #tpu.memory_space<vmem>>, vector<260x346xf32>
    %get3A_391 = arith.constant 0 : index
    %get3A_392 = arith.constant 1 : index
    %get3A_393 = vector.load %arg3[%get3A_391, %get3A_392] : memref<262x348xf32, #tpu.memory_space<vmem>>, vector<260x346xf32>
    %add3A_394 = arith.addf %get3A_390, %get3A_393 : vector<260x346xf32>
    %get3A_395 = arith.constant 0 : index
    %get3A_396 = arith.constant 2 : index
    %get3A_397 = vector.load %arg3[%get3A_395, %get3A_396] : memref<262x348xf32, #tpu.memory_space<vmem>>, vector<260x346xf32>
    %add3A_398 = arith.addf %add3A_394, %get3A_397 : vector<260x346xf32>
    %get3A_399 = arith.constant 1 : index
    %get3A_400 = arith.constant 0 : index
    %get3A_401 = vector.load %arg3[%get3A_399, %get3A_400] : memref<262x348xf32, #tpu.memory_space<vmem>>, vector<260x346xf32>
    %add3A_402 = arith.addf %add3A_398, %get3A_401 : vector<260x346xf32>
    %get3A_403 = arith.constant 1 : index
    %get3A_404 = arith.constant 2 : index
    %get3A_405 = vector.load %arg3[%get3A_403, %get3A_404] : memref<262x348xf32, #tpu.memory_space<vmem>>, vector<260x346xf32>
    %add3A_406 = arith.addf %add3A_402, %get3A_405 : vector<260x346xf32>
    %get3A_407 = arith.constant 2 : index
    %get3A_408 = arith.constant 0 : index
    %get3A_409 = vector.load %arg3[%get3A_407, %get3A_408] : memref<262x348xf32, #tpu.memory_space<vmem>>, vector<260x346xf32>
    %add3A_410 = arith.addf %add3A_406, %get3A_409 : vector<260x346xf32>
    %get3A_411 = arith.constant 2 : index
    %get3A_412 = arith.constant 1 : index
    %get3A_413 = vector.load %arg3[%get3A_411, %get3A_412] : memref<262x348xf32, #tpu.memory_space<vmem>>, vector<260x346xf32>
    %add3A_414 = arith.addf %add3A_410, %get3A_413 : vector<260x346xf32>
    %get3A_415 = arith.constant 2 : index
    %get3A_416 = arith.constant 2 : index
    %get3A_417 = vector.load %arg3[%get3A_415, %get3A_416] : memref<262x348xf32, #tpu.memory_space<vmem>>, vector<260x346xf32>
    %add3A_418 = arith.addf %add3A_414, %get3A_417 : vector<260x346xf32>
    %mul3A_419 = arith.constant 1.250000e-01 : f32
    %mul3A_420 = vector.broadcast %mul3A_419 : f32 to vector<260x346xf32>
    %mul3A_421 = arith.mulf %add3A_418, %mul3A_420 : vector<260x346xf32>
    %sub3A_422 = arith.constant 2.500000e-01 : f32
    %sub3A_423 = vector.broadcast %sub3A_422 : f32 to vector<260x346xf32>
    %sub3A_424 = arith.subf %mul3A_421, %sub3A_423 : vector<260x346xf32>
    %swap3A_425 = arith.constant 0 : index
    %swap3A_426 = arith.constant 7 : index
    %swap3A_427 = arith.constant 0 : index
    %swap3A_428 = arith.constant 0 : index
    %swap3A_429 = vector.load %arg2[%swap3A_425, %swap3A_426, %swap3A_427, %swap3A_428] : memref<1x16x260x346xf32, #tpu.memory_space<vmem>>, vector<1x1x260x346xf32>
    %swap3A_430 = vector.shape_cast %swap3A_429 : vector<1x1x260x346xf32> to vector<260x346xf32>
    %swap3A_431 = vector.shape_cast %sub3A_424 : vector<260x346xf32> to vector<1x1x260x346xf32>
    tpu.vector_store %arg2[%swap3A_425, %swap3A_426, %swap3A_427, %swap3A_428], %swap3A_431 {strides = array<i32>} : memref<1x16x260x346xf32, #tpu.memory_space<vmem>>, vector<1x1x260x346xf32>,
    %get3A_432 = arith.constant 0 : index
    %get3A_433 = arith.constant 8 : index
    %get3A_434 = arith.constant 0 : index
    %get3A_435 = arith.constant 0 : index
    %get3A_436 = vector.load %arg1[%get3A_432, %get3A_433, %get3A_434, %get3A_435] : memref<1x16x260x346xf32, #tpu.memory_space<vmem>>, vector<1x1x260x346xf32>
    %get3A_437 = vector.shape_cast %get3A_436 : vector<1x1x260x346xf32> to vector<260x346xf32>
    %mul3A_438 = arith.constant 1.000000e+00 : f32
    %mul3A_439 = vector.broadcast %mul3A_438 : f32 to vector<260x346xf32>
    %mul3A_440 = arith.mulf %get3A_437, %mul3A_439 : vector<260x346xf32>
    %mul3A_441 = arith.constant 5.000000e-01 : f32
    %mul3A_442 = vector.broadcast %mul3A_441 : f32 to vector<260x346xf32>
    %mul3A_443 = arith.mulf %sub3A_424, %mul3A_442 : vector<260x346xf32>
    %add3A_444 = arith.addf %mul3A_440, %mul3A_443 : vector<260x346xf32>
    %swap3A_445 = arith.constant 1 : index
    %swap3A_446 = arith.constant 1 : index
    %swap3A_447 = vector.load %arg3[%swap3A_445, %swap3A_446] : memref<262x348xf32, #tpu.memory_space<vmem>>, vector<260x346xf32>
    tpu.vector_store %arg3[%swap3A_445, %swap3A_446], %add3A_444 {strides = array<i32>} : memref<262x348xf32, #tpu.memory_space<vmem>>, vector<260x346xf32>,
    %get3A_448 = arith.constant 0 : index
    %get3A_449 = arith.constant 0 : index
    %get3A_450 = vector.load %arg3[%get3A_448, %get3A_449] : memref<262x348xf32, #tpu.memory_space<vmem>>, vector<260x346xf32>
    %get3A_451 = arith.constant 0 : index
    %get3A_452 = arith.constant 1 : index
    %get3A_453 = vector.load %arg3[%get3A_451, %get3A_452] : memref<262x348xf32, #tpu.memory_space<vmem>>, vector<260x346xf32>
    %add3A_454 = arith.addf %get3A_450, %get3A_453 : vector<260x346xf32>
    %get3A_455 = arith.constant 0 : index
    %get3A_456 = arith.constant 2 : index
    %get3A_457 = vector.load %arg3[%get3A_455, %get3A_456] : memref<262x348xf32, #tpu.memory_space<vmem>>, vector<260x346xf32>
    %add3A_458 = arith.addf %add3A_454, %get3A_457 : vector<260x346xf32>
    %get3A_459 = arith.constant 1 : index
    %get3A_460 = arith.constant 0 : index
    %get3A_461 = vector.load %arg3[%get3A_459, %get3A_460] : memref<262x348xf32, #tpu.memory_space<vmem>>, vector<260x346xf32>
    %add3A_462 = arith.addf %add3A_458, %get3A_461 : vector<260x346xf32>
    %get3A_463 = arith.constant 1 : index
    %get3A_464 = arith.constant 2 : index
    %get3A_465 = vector.load %arg3[%get3A_463, %get3A_464] : memref<262x348xf32, #tpu.memory_space<vmem>>, vector<260x346xf32>
    %add3A_466 = arith.addf %add3A_462, %get3A_465 : vector<260x346xf32>
    %get3A_467 = arith.constant 2 : index
    %get3A_468 = arith.constant 0 : index
    %get3A_469 = vector.load %arg3[%get3A_467, %get3A_468] : memref<262x348xf32, #tpu.memory_space<vmem>>, vector<260x346xf32>
    %add3A_470 = arith.addf %add3A_466, %get3A_469 : vector<260x346xf32>
    %get3A_471 = arith.constant 2 : index
    %get3A_472 = arith.constant 1 : index
    %get3A_473 = vector.load %arg3[%get3A_471, %get3A_472] : memref<262x348xf32, #tpu.memory_space<vmem>>, vector<260x346xf32>
    %add3A_474 = arith.addf %add3A_470, %get3A_473 : vector<260x346xf32>
    %get3A_475 = arith.constant 2 : index
    %get3A_476 = arith.constant 2 : index
    %get3A_477 = vector.load %arg3[%get3A_475, %get3A_476] : memref<262x348xf32, #tpu.memory_space<vmem>>, vector<260x346xf32>
    %add3A_478 = arith.addf %add3A_474, %get3A_477 : vector<260x346xf32>
    %mul3A_479 = arith.constant 1.250000e-01 : f32
    %mul3A_480 = vector.broadcast %mul3A_479 : f32 to vector<260x346xf32>
    %mul3A_481 = arith.mulf %add3A_478, %mul3A_480 : vector<260x346xf32>
    %sub3A_482 = arith.constant 2.500000e-01 : f32
    %sub3A_483 = vector.broadcast %sub3A_482 : f32 to vector<260x346xf32>
    %sub3A_484 = arith.subf %mul3A_481, %sub3A_483 : vector<260x346xf32>
    %swap3A_485 = arith.constant 0 : index
    %swap3A_486 = arith.constant 8 : index
    %swap3A_487 = arith.constant 0 : index
    %swap3A_488 = arith.constant 0 : index
    %swap3A_489 = vector.load %arg2[%swap3A_485, %swap3A_486, %swap3A_487, %swap3A_488] : memref<1x16x260x346xf32, #tpu.memory_space<vmem>>, vector<1x1x260x346xf32>
    %swap3A_490 = vector.shape_cast %swap3A_489 : vector<1x1x260x346xf32> to vector<260x346xf32>
    %swap3A_491 = vector.shape_cast %sub3A_484 : vector<260x346xf32> to vector<1x1x260x346xf32>
    tpu.vector_store %arg2[%swap3A_485, %swap3A_486, %swap3A_487, %swap3A_488], %swap3A_491 {strides = array<i32>} : memref<1x16x260x346xf32, #tpu.memory_space<vmem>>, vector<1x1x260x346xf32>,
    %get3A_492 = arith.constant 0 : index
    %get3A_493 = arith.constant 9 : index
    %get3A_494 = arith.constant 0 : index
    %get3A_495 = arith.constant 0 : index
    %get3A_496 = vector.load %arg1[%get3A_492, %get3A_493, %get3A_494, %get3A_495] : memref<1x16x260x346xf32, #tpu.memory_space<vmem>>, vector<1x1x260x346xf32>
    %get3A_497 = vector.shape_cast %get3A_496 : vector<1x1x260x346xf32> to vector<260x346xf32>
    %mul3A_498 = arith.constant 9.375000e-01 : f32
    %mul3A_499 = vector.broadcast %mul3A_498 : f32 to vector<260x346xf32>
    %mul3A_500 = arith.mulf %get3A_497, %mul3A_499 : vector<260x346xf32>
    %mul3A_501 = arith.constant 5.625000e-01 : f32
    %mul3A_502 = vector.broadcast %mul3A_501 : f32 to vector<260x346xf32>
    %mul3A_503 = arith.mulf %sub3A_484, %mul3A_502 : vector<260x346xf32>
    %add3A_504 = arith.addf %mul3A_500, %mul3A_503 : vector<260x346xf32>
    %swap3A_505 = arith.constant 1 : index
    %swap3A_506 = arith.constant 1 : index
    %swap3A_507 = vector.load %arg3[%swap3A_505, %swap3A_506] : memref<262x348xf32, #tpu.memory_space<vmem>>, vector<260x346xf32>
    tpu.vector_store %arg3[%swap3A_505, %swap3A_506], %add3A_504 {strides = array<i32>} : memref<262x348xf32, #tpu.memory_space<vmem>>, vector<260x346xf32>,
    %get3A_508 = arith.constant 0 : index
    %get3A_509 = arith.constant 0 : index
    %get3A_510 = vector.load %arg3[%get3A_508, %get3A_509] : memref<262x348xf32, #tpu.memory_space<vmem>>, vector<260x346xf32>
    %get3A_511 = arith.constant 0 : index
    %get3A_512 = arith.constant 1 : index
    %get3A_513 = vector.load %arg3[%get3A_511, %get3A_512] : memref<262x348xf32, #tpu.memory_space<vmem>>, vector<260x346xf32>
    %add3A_514 = arith.addf %get3A_510, %get3A_513 : vector<260x346xf32>
    %get3A_515 = arith.constant 0 : index
    %get3A_516 = arith.constant 2 : index
    %get3A_517 = vector.load %arg3[%get3A_515, %get3A_516] : memref<262x348xf32, #tpu.memory_space<vmem>>, vector<260x346xf32>
    %add3A_518 = arith.addf %add3A_514, %get3A_517 : vector<260x346xf32>
    %get3A_519 = arith.constant 1 : index
    %get3A_520 = arith.constant 0 : index
    %get3A_521 = vector.load %arg3[%get3A_519, %get3A_520] : memref<262x348xf32, #tpu.memory_space<vmem>>, vector<260x346xf32>
    %add3A_522 = arith.addf %add3A_518, %get3A_521 : vector<260x346xf32>
    %get3A_523 = arith.constant 1 : index
    %get3A_524 = arith.constant 2 : index
    %get3A_525 = vector.load %arg3[%get3A_523, %get3A_524] : memref<262x348xf32, #tpu.memory_space<vmem>>, vector<260x346xf32>
    %add3A_526 = arith.addf %add3A_522, %get3A_525 : vector<260x346xf32>
    %get3A_527 = arith.constant 2 : index
    %get3A_528 = arith.constant 0 : index
    %get3A_529 = vector.load %arg3[%get3A_527, %get3A_528] : memref<262x348xf32, #tpu.memory_space<vmem>>, vector<260x346xf32>
    %add3A_530 = arith.addf %add3A_526, %get3A_529 : vector<260x346xf32>
    %get3A_531 = arith.constant 2 : index
    %get3A_532 = arith.constant 1 : index
    %get3A_533 = vector.load %arg3[%get3A_531, %get3A_532] : memref<262x348xf32, #tpu.memory_space<vmem>>, vector<260x346xf32>
    %add3A_534 = arith.addf %add3A_530, %get3A_533 : vector<260x346xf32>
    %get3A_535 = arith.constant 2 : index
    %get3A_536 = arith.constant 2 : index
    %get3A_537 = vector.load %arg3[%get3A_535, %get3A_536] : memref<262x348xf32, #tpu.memory_space<vmem>>, vector<260x346xf32>
    %add3A_538 = arith.addf %add3A_534, %get3A_537 : vector<260x346xf32>
    %mul3A_539 = arith.constant 1.250000e-01 : f32
    %mul3A_540 = vector.broadcast %mul3A_539 : f32 to vector<260x346xf32>
    %mul3A_541 = arith.mulf %add3A_538, %mul3A_540 : vector<260x346xf32>
    %sub3A_542 = arith.constant 2.500000e-01 : f32
    %sub3A_543 = vector.broadcast %sub3A_542 : f32 to vector<260x346xf32>
    %sub3A_544 = arith.subf %mul3A_541, %sub3A_543 : vector<260x346xf32>
    %swap3A_545 = arith.constant 0 : index
    %swap3A_546 = arith.constant 9 : index
    %swap3A_547 = arith.constant 0 : index
    %swap3A_548 = arith.constant 0 : index
    %swap3A_549 = vector.load %arg2[%swap3A_545, %swap3A_546, %swap3A_547, %swap3A_548] : memref<1x16x260x346xf32, #tpu.memory_space<vmem>>, vector<1x1x260x346xf32>
    %swap3A_550 = vector.shape_cast %swap3A_549 : vector<1x1x260x346xf32> to vector<260x346xf32>
    %swap3A_551 = vector.shape_cast %sub3A_544 : vector<260x346xf32> to vector<1x1x260x346xf32>
    tpu.vector_store %arg2[%swap3A_545, %swap3A_546, %swap3A_547, %swap3A_548], %swap3A_551 {strides = array<i32>} : memref<1x16x260x346xf32, #tpu.memory_space<vmem>>, vector<1x1x260x346xf32>,
    %get3A_552 = arith.constant 0 : index
    %get3A_553 = arith.constant 10 : index
    %get3A_554 = arith.constant 0 : index
    %get3A_555 = arith.constant 0 : index
    %get3A_556 = vector.load %arg1[%get3A_552, %get3A_553, %get3A_554, %get3A_555] : memref<1x16x260x346xf32, #tpu.memory_space<vmem>>, vector<1x1x260x346xf32>
    %get3A_557 = vector.shape_cast %get3A_556 : vector<1x1x260x346xf32> to vector<260x346xf32>
    %mul3A_558 = arith.constant 8.750000e-01 : f32
    %mul3A_559 = vector.broadcast %mul3A_558 : f32 to vector<260x346xf32>
    %mul3A_560 = arith.mulf %get3A_557, %mul3A_559 : vector<260x346xf32>
    %mul3A_561 = arith.constant 6.250000e-01 : f32
    %mul3A_562 = vector.broadcast %mul3A_561 : f32 to vector<260x346xf32>
    %mul3A_563 = arith.mulf %sub3A_544, %mul3A_562 : vector<260x346xf32>
    %add3A_564 = arith.addf %mul3A_560, %mul3A_563 : vector<260x346xf32>
    %swap3A_565 = arith.constant 1 : index
    %swap3A_566 = arith.constant 1 : index
    %swap3A_567 = vector.load %arg3[%swap3A_565, %swap3A_566] : memref<262x348xf32, #tpu.memory_space<vmem>>, vector<260x346xf32>
    tpu.vector_store %arg3[%swap3A_565, %swap3A_566], %add3A_564 {strides = array<i32>} : memref<262x348xf32, #tpu.memory_space<vmem>>, vector<260x346xf32>,
    %get3A_568 = arith.constant 0 : index
    %get3A_569 = arith.constant 0 : index
    %get3A_570 = vector.load %arg3[%get3A_568, %get3A_569] : memref<262x348xf32, #tpu.memory_space<vmem>>, vector<260x346xf32>
    %get3A_571 = arith.constant 0 : index
    %get3A_572 = arith.constant 1 : index
    %get3A_573 = vector.load %arg3[%get3A_571, %get3A_572] : memref<262x348xf32, #tpu.memory_space<vmem>>, vector<260x346xf32>
    %add3A_574 = arith.addf %get3A_570, %get3A_573 : vector<260x346xf32>
    %get3A_575 = arith.constant 0 : index
    %get3A_576 = arith.constant 2 : index
    %get3A_577 = vector.load %arg3[%get3A_575, %get3A_576] : memref<262x348xf32, #tpu.memory_space<vmem>>, vector<260x346xf32>
    %add3A_578 = arith.addf %add3A_574, %get3A_577 : vector<260x346xf32>
    %get3A_579 = arith.constant 1 : index
    %get3A_580 = arith.constant 0 : index
    %get3A_581 = vector.load %arg3[%get3A_579, %get3A_580] : memref<262x348xf32, #tpu.memory_space<vmem>>, vector<260x346xf32>
    %add3A_582 = arith.addf %add3A_578, %get3A_581 : vector<260x346xf32>
    %get3A_583 = arith.constant 1 : index
    %get3A_584 = arith.constant 2 : index
    %get3A_585 = vector.load %arg3[%get3A_583, %get3A_584] : memref<262x348xf32, #tpu.memory_space<vmem>>, vector<260x346xf32>
    %add3A_586 = arith.addf %add3A_582, %get3A_585 : vector<260x346xf32>
    %get3A_587 = arith.constant 2 : index
    %get3A_588 = arith.constant 0 : index
    %get3A_589 = vector.load %arg3[%get3A_587, %get3A_588] : memref<262x348xf32, #tpu.memory_space<vmem>>, vector<260x346xf32>
    %add3A_590 = arith.addf %add3A_586, %get3A_589 : vector<260x346xf32>
    %get3A_591 = arith.constant 2 : index
    %get3A_592 = arith.constant 1 : index
    %get3A_593 = vector.load %arg3[%get3A_591, %get3A_592] : memref<262x348xf32, #tpu.memory_space<vmem>>, vector<260x346xf32>
    %add3A_594 = arith.addf %add3A_590, %get3A_593 : vector<260x346xf32>
    %get3A_595 = arith.constant 2 : index
    %get3A_596 = arith.constant 2 : index
    %get3A_597 = vector.load %arg3[%get3A_595, %get3A_596] : memref<262x348xf32, #tpu.memory_space<vmem>>, vector<260x346xf32>
    %add3A_598 = arith.addf %add3A_594, %get3A_597 : vector<260x346xf32>
    %mul3A_599 = arith.constant 1.250000e-01 : f32
    %mul3A_600 = vector.broadcast %mul3A_599 : f32 to vector<260x346xf32>
    %mul3A_601 = arith.mulf %add3A_598, %mul3A_600 : vector<260x346xf32>
    %sub3A_602 = arith.constant 2.500000e-01 : f32
    %sub3A_603 = vector.broadcast %sub3A_602 : f32 to vector<260x346xf32>
    %sub3A_604 = arith.subf %mul3A_601, %sub3A_603 : vector<260x346xf32>
    %swap3A_605 = arith.constant 0 : index
    %swap3A_606 = arith.constant 10 : index
    %swap3A_607 = arith.constant 0 : index
    %swap3A_608 = arith.constant 0 : index
    %swap3A_609 = vector.load %arg2[%swap3A_605, %swap3A_606, %swap3A_607, %swap3A_608] : memref<1x16x260x346xf32, #tpu.memory_space<vmem>>, vector<1x1x260x346xf32>
    %swap3A_610 = vector.shape_cast %swap3A_609 : vector<1x1x260x346xf32> to vector<260x346xf32>
    %swap3A_611 = vector.shape_cast %sub3A_604 : vector<260x346xf32> to vector<1x1x260x346xf32>
    tpu.vector_store %arg2[%swap3A_605, %swap3A_606, %swap3A_607, %swap3A_608], %swap3A_611 {strides = array<i32>} : memref<1x16x260x346xf32, #tpu.memory_space<vmem>>, vector<1x1x260x346xf32>,
    %get3A_612 = arith.constant 0 : index
    %get3A_613 = arith.constant 11 : index
    %get3A_614 = arith.constant 0 : index
    %get3A_615 = arith.constant 0 : index
    %get3A_616 = vector.load %arg1[%get3A_612, %get3A_613, %get3A_614, %get3A_615] : memref<1x16x260x346xf32, #tpu.memory_space<vmem>>, vector<1x1x260x346xf32>
    %get3A_617 = vector.shape_cast %get3A_616 : vector<1x1x260x346xf32> to vector<260x346xf32>
    %mul3A_618 = arith.constant 8.125000e-01 : f32
    %mul3A_619 = vector.broadcast %mul3A_618 : f32 to vector<260x346xf32>
    %mul3A_620 = arith.mulf %get3A_617, %mul3A_619 : vector<260x346xf32>
    %mul3A_621 = arith.constant 6.875000e-01 : f32
    %mul3A_622 = vector.broadcast %mul3A_621 : f32 to vector<260x346xf32>
    %mul3A_623 = arith.mulf %sub3A_604, %mul3A_622 : vector<260x346xf32>
    %add3A_624 = arith.addf %mul3A_620, %mul3A_623 : vector<260x346xf32>
    %swap3A_625 = arith.constant 1 : index
    %swap3A_626 = arith.constant 1 : index
    %swap3A_627 = vector.load %arg3[%swap3A_625, %swap3A_626] : memref<262x348xf32, #tpu.memory_space<vmem>>, vector<260x346xf32>
    tpu.vector_store %arg3[%swap3A_625, %swap3A_626], %add3A_624 {strides = array<i32>} : memref<262x348xf32, #tpu.memory_space<vmem>>, vector<260x346xf32>,
    %get3A_628 = arith.constant 0 : index
    %get3A_629 = arith.constant 0 : index
    %get3A_630 = vector.load %arg3[%get3A_628, %get3A_629] : memref<262x348xf32, #tpu.memory_space<vmem>>, vector<260x346xf32>
    %get3A_631 = arith.constant 0 : index
    %get3A_632 = arith.constant 1 : index
    %get3A_633 = vector.load %arg3[%get3A_631, %get3A_632] : memref<262x348xf32, #tpu.memory_space<vmem>>, vector<260x346xf32>
    %add3A_634 = arith.addf %get3A_630, %get3A_633 : vector<260x346xf32>
    %get3A_635 = arith.constant 0 : index
    %get3A_636 = arith.constant 2 : index
    %get3A_637 = vector.load %arg3[%get3A_635, %get3A_636] : memref<262x348xf32, #tpu.memory_space<vmem>>, vector<260x346xf32>
    %add3A_638 = arith.addf %add3A_634, %get3A_637 : vector<260x346xf32>
    %get3A_639 = arith.constant 1 : index
    %get3A_640 = arith.constant 0 : index
    %get3A_641 = vector.load %arg3[%get3A_639, %get3A_640] : memref<262x348xf32, #tpu.memory_space<vmem>>, vector<260x346xf32>
    %add3A_642 = arith.addf %add3A_638, %get3A_641 : vector<260x346xf32>
    %get3A_643 = arith.constant 1 : index
    %get3A_644 = arith.constant 2 : index
    %get3A_645 = vector.load %arg3[%get3A_643, %get3A_644] : memref<262x348xf32, #tpu.memory_space<vmem>>, vector<260x346xf32>
    %add3A_646 = arith.addf %add3A_642, %get3A_645 : vector<260x346xf32>
    %get3A_647 = arith.constant 2 : index
    %get3A_648 = arith.constant 0 : index
    %get3A_649 = vector.load %arg3[%get3A_647, %get3A_648] : memref<262x348xf32, #tpu.memory_space<vmem>>, vector<260x346xf32>
    %add3A_650 = arith.addf %add3A_646, %get3A_649 : vector<260x346xf32>
    %get3A_651 = arith.constant 2 : index
    %get3A_652 = arith.constant 1 : index
    %get3A_653 = vector.load %arg3[%get3A_651, %get3A_652] : memref<262x348xf32, #tpu.memory_space<vmem>>, vector<260x346xf32>
    %add3A_654 = arith.addf %add3A_650, %get3A_653 : vector<260x346xf32>
    %get3A_655 = arith.constant 2 : index
    %get3A_656 = arith.constant 2 : index
    %get3A_657 = vector.load %arg3[%get3A_655, %get3A_656] : memref<262x348xf32, #tpu.memory_space<vmem>>, vector<260x346xf32>
    %add3A_658 = arith.addf %add3A_654, %get3A_657 : vector<260x346xf32>
    %mul3A_659 = arith.constant 1.250000e-01 : f32
    %mul3A_660 = vector.broadcast %mul3A_659 : f32 to vector<260x346xf32>
    %mul3A_661 = arith.mulf %add3A_658, %mul3A_660 : vector<260x346xf32>
    %sub3A_662 = arith.constant 2.500000e-01 : f32
    %sub3A_663 = vector.broadcast %sub3A_662 : f32 to vector<260x346xf32>
    %sub3A_664 = arith.subf %mul3A_661, %sub3A_663 : vector<260x346xf32>
    %swap3A_665 = arith.constant 0 : index
    %swap3A_666 = arith.constant 11 : index
    %swap3A_667 = arith.constant 0 : index
    %swap3A_668 = arith.constant 0 : index
    %swap3A_669 = vector.load %arg2[%swap3A_665, %swap3A_666, %swap3A_667, %swap3A_668] : memref<1x16x260x346xf32, #tpu.memory_space<vmem>>, vector<1x1x260x346xf32>
    %swap3A_670 = vector.shape_cast %swap3A_669 : vector<1x1x260x346xf32> to vector<260x346xf32>
    %swap3A_671 = vector.shape_cast %sub3A_664 : vector<260x346xf32> to vector<1x1x260x346xf32>
    tpu.vector_store %arg2[%swap3A_665, %swap3A_666, %swap3A_667, %swap3A_668], %swap3A_671 {strides = array<i32>} : memref<1x16x260x346xf32, #tpu.memory_space<vmem>>, vector<1x1x260x346xf32>,
    %get3A_672 = arith.constant 0 : index
    %get3A_673 = arith.constant 12 : index
    %get3A_674 = arith.constant 0 : index
    %get3A_675 = arith.constant 0 : index
    %get3A_676 = vector.load %arg1[%get3A_672, %get3A_673, %get3A_674, %get3A_675] : memref<1x16x260x346xf32, #tpu.memory_space<vmem>>, vector<1x1x260x346xf32>
    %get3A_677 = vector.shape_cast %get3A_676 : vector<1x1x260x346xf32> to vector<260x346xf32>
    %mul3A_678 = arith.constant 7.500000e-01 : f32
    %mul3A_679 = vector.broadcast %mul3A_678 : f32 to vector<260x346xf32>
    %mul3A_680 = arith.mulf %get3A_677, %mul3A_679 : vector<260x346xf32>
    %mul3A_681 = arith.constant 7.500000e-01 : f32
    %mul3A_682 = vector.broadcast %mul3A_681 : f32 to vector<260x346xf32>
    %mul3A_683 = arith.mulf %sub3A_664, %mul3A_682 : vector<260x346xf32>
    %add3A_684 = arith.addf %mul3A_680, %mul3A_683 : vector<260x346xf32>
    %swap3A_685 = arith.constant 1 : index
    %swap3A_686 = arith.constant 1 : index
    %swap3A_687 = vector.load %arg3[%swap3A_685, %swap3A_686] : memref<262x348xf32, #tpu.memory_space<vmem>>, vector<260x346xf32>
    tpu.vector_store %arg3[%swap3A_685, %swap3A_686], %add3A_684 {strides = array<i32>} : memref<262x348xf32, #tpu.memory_space<vmem>>, vector<260x346xf32>,
    %get3A_688 = arith.constant 0 : index
    %get3A_689 = arith.constant 0 : index
    %get3A_690 = vector.load %arg3[%get3A_688, %get3A_689] : memref<262x348xf32, #tpu.memory_space<vmem>>, vector<260x346xf32>
    %get3A_691 = arith.constant 0 : index
    %get3A_692 = arith.constant 1 : index
    %get3A_693 = vector.load %arg3[%get3A_691, %get3A_692] : memref<262x348xf32, #tpu.memory_space<vmem>>, vector<260x346xf32>
    %add3A_694 = arith.addf %get3A_690, %get3A_693 : vector<260x346xf32>
    %get3A_695 = arith.constant 0 : index
    %get3A_696 = arith.constant 2 : index
    %get3A_697 = vector.load %arg3[%get3A_695, %get3A_696] : memref<262x348xf32, #tpu.memory_space<vmem>>, vector<260x346xf32>
    %add3A_698 = arith.addf %add3A_694, %get3A_697 : vector<260x346xf32>
    %get3A_699 = arith.constant 1 : index
    %get3A_700 = arith.constant 0 : index
    %get3A_701 = vector.load %arg3[%get3A_699, %get3A_700] : memref<262x348xf32, #tpu.memory_space<vmem>>, vector<260x346xf32>
    %add3A_702 = arith.addf %add3A_698, %get3A_701 : vector<260x346xf32>
    %get3A_703 = arith.constant 1 : index
    %get3A_704 = arith.constant 2 : index
    %get3A_705 = vector.load %arg3[%get3A_703, %get3A_704] : memref<262x348xf32, #tpu.memory_space<vmem>>, vector<260x346xf32>
    %add3A_706 = arith.addf %add3A_702, %get3A_705 : vector<260x346xf32>
    %get3A_707 = arith.constant 2 : index
    %get3A_708 = arith.constant 0 : index
    %get3A_709 = vector.load %arg3[%get3A_707, %get3A_708] : memref<262x348xf32, #tpu.memory_space<vmem>>, vector<260x346xf32>
    %add3A_710 = arith.addf %add3A_706, %get3A_709 : vector<260x346xf32>
    %get3A_711 = arith.constant 2 : index
    %get3A_712 = arith.constant 1 : index
    %get3A_713 = vector.load %arg3[%get3A_711, %get3A_712] : memref<262x348xf32, #tpu.memory_space<vmem>>, vector<260x346xf32>
    %add3A_714 = arith.addf %add3A_710, %get3A_713 : vector<260x346xf32>
    %get3A_715 = arith.constant 2 : index
    %get3A_716 = arith.constant 2 : index
    %get3A_717 = vector.load %arg3[%get3A_715, %get3A_716] : memref<262x348xf32, #tpu.memory_space<vmem>>, vector<260x346xf32>
    %add3A_718 = arith.addf %add3A_714, %get3A_717 : vector<260x346xf32>
    %mul3A_719 = arith.constant 1.250000e-01 : f32
    %mul3A_720 = vector.broadcast %mul3A_719 : f32 to vector<260x346xf32>
    %mul3A_721 = arith.mulf %add3A_718, %mul3A_720 : vector<260x346xf32>
    %sub3A_722 = arith.constant 2.500000e-01 : f32
    %sub3A_723 = vector.broadcast %sub3A_722 : f32 to vector<260x346xf32>
    %sub3A_724 = arith.subf %mul3A_721, %sub3A_723 : vector<260x346xf32>
    %swap3A_725 = arith.constant 0 : index
    %swap3A_726 = arith.constant 12 : index
    %swap3A_727 = arith.constant 0 : index
    %swap3A_728 = arith.constant 0 : index
    %swap3A_729 = vector.load %arg2[%swap3A_725, %swap3A_726, %swap3A_727, %swap3A_728] : memref<1x16x260x346xf32, #tpu.memory_space<vmem>>, vector<1x1x260x346xf32>
    %swap3A_730 = vector.shape_cast %swap3A_729 : vector<1x1x260x346xf32> to vector<260x346xf32>
    %swap3A_731 = vector.shape_cast %sub3A_724 : vector<260x346xf32> to vector<1x1x260x346xf32>
    tpu.vector_store %arg2[%swap3A_725, %swap3A_726, %swap3A_727, %swap3A_728], %swap3A_731 {strides = array<i32>} : memref<1x16x260x346xf32, #tpu.memory_space<vmem>>, vector<1x1x260x346xf32>,
    %get3A_732 = arith.constant 0 : index
    %get3A_733 = arith.constant 13 : index
    %get3A_734 = arith.constant 0 : index
    %get3A_735 = arith.constant 0 : index
    %get3A_736 = vector.load %arg1[%get3A_732, %get3A_733, %get3A_734, %get3A_735] : memref<1x16x260x346xf32, #tpu.memory_space<vmem>>, vector<1x1x260x346xf32>
    %get3A_737 = vector.shape_cast %get3A_736 : vector<1x1x260x346xf32> to vector<260x346xf32>
    %mul3A_738 = arith.constant 6.875000e-01 : f32
    %mul3A_739 = vector.broadcast %mul3A_738 : f32 to vector<260x346xf32>
    %mul3A_740 = arith.mulf %get3A_737, %mul3A_739 : vector<260x346xf32>
    %mul3A_741 = arith.constant 8.125000e-01 : f32
    %mul3A_742 = vector.broadcast %mul3A_741 : f32 to vector<260x346xf32>
    %mul3A_743 = arith.mulf %sub3A_724, %mul3A_742 : vector<260x346xf32>
    %add3A_744 = arith.addf %mul3A_740, %mul3A_743 : vector<260x346xf32>
    %swap3A_745 = arith.constant 1 : index
    %swap3A_746 = arith.constant 1 : index
    %swap3A_747 = vector.load %arg3[%swap3A_745, %swap3A_746] : memref<262x348xf32, #tpu.memory_space<vmem>>, vector<260x346xf32>
    tpu.vector_store %arg3[%swap3A_745, %swap3A_746], %add3A_744 {strides = array<i32>} : memref<262x348xf32, #tpu.memory_space<vmem>>, vector<260x346xf32>,
    %get3A_748 = arith.constant 0 : index
    %get3A_749 = arith.constant 0 : index
    %get3A_750 = vector.load %arg3[%get3A_748, %get3A_749] : memref<262x348xf32, #tpu.memory_space<vmem>>, vector<260x346xf32>
    %get3A_751 = arith.constant 0 : index
    %get3A_752 = arith.constant 1 : index
    %get3A_753 = vector.load %arg3[%get3A_751, %get3A_752] : memref<262x348xf32, #tpu.memory_space<vmem>>, vector<260x346xf32>
    %add3A_754 = arith.addf %get3A_750, %get3A_753 : vector<260x346xf32>
    %get3A_755 = arith.constant 0 : index
    %get3A_756 = arith.constant 2 : index
    %get3A_757 = vector.load %arg3[%get3A_755, %get3A_756] : memref<262x348xf32, #tpu.memory_space<vmem>>, vector<260x346xf32>
    %add3A_758 = arith.addf %add3A_754, %get3A_757 : vector<260x346xf32>
    %get3A_759 = arith.constant 1 : index
    %get3A_760 = arith.constant 0 : index
    %get3A_761 = vector.load %arg3[%get3A_759, %get3A_760] : memref<262x348xf32, #tpu.memory_space<vmem>>, vector<260x346xf32>
    %add3A_762 = arith.addf %add3A_758, %get3A_761 : vector<260x346xf32>
    %get3A_763 = arith.constant 1 : index
    %get3A_764 = arith.constant 2 : index
    %get3A_765 = vector.load %arg3[%get3A_763, %get3A_764] : memref<262x348xf32, #tpu.memory_space<vmem>>, vector<260x346xf32>
    %add3A_766 = arith.addf %add3A_762, %get3A_765 : vector<260x346xf32>
    %get3A_767 = arith.constant 2 : index
    %get3A_768 = arith.constant 0 : index
    %get3A_769 = vector.load %arg3[%get3A_767, %get3A_768] : memref<262x348xf32, #tpu.memory_space<vmem>>, vector<260x346xf32>
    %add3A_770 = arith.addf %add3A_766, %get3A_769 : vector<260x346xf32>
    %get3A_771 = arith.constant 2 : index
    %get3A_772 = arith.constant 1 : index
    %get3A_773 = vector.load %arg3[%get3A_771, %get3A_772] : memref<262x348xf32, #tpu.memory_space<vmem>>, vector<260x346xf32>
    %add3A_774 = arith.addf %add3A_770, %get3A_773 : vector<260x346xf32>
    %get3A_775 = arith.constant 2 : index
    %get3A_776 = arith.constant 2 : index
    %get3A_777 = vector.load %arg3[%get3A_775, %get3A_776] : memref<262x348xf32, #tpu.memory_space<vmem>>, vector<260x346xf32>
    %add3A_778 = arith.addf %add3A_774, %get3A_777 : vector<260x346xf32>
    %mul3A_779 = arith.constant 1.250000e-01 : f32
    %mul3A_780 = vector.broadcast %mul3A_779 : f32 to vector<260x346xf32>
    %mul3A_781 = arith.mulf %add3A_778, %mul3A_780 : vector<260x346xf32>
    %sub3A_782 = arith.constant 2.500000e-01 : f32
    %sub3A_783 = vector.broadcast %sub3A_782 : f32 to vector<260x346xf32>
    %sub3A_784 = arith.subf %mul3A_781, %sub3A_783 : vector<260x346xf32>
    %swap3A_785 = arith.constant 0 : index
    %swap3A_786 = arith.constant 13 : index
    %swap3A_787 = arith.constant 0 : index
    %swap3A_788 = arith.constant 0 : index
    %swap3A_789 = vector.load %arg2[%swap3A_785, %swap3A_786, %swap3A_787, %swap3A_788] : memref<1x16x260x346xf32, #tpu.memory_space<vmem>>, vector<1x1x260x346xf32>
    %swap3A_790 = vector.shape_cast %swap3A_789 : vector<1x1x260x346xf32> to vector<260x346xf32>
    %swap3A_791 = vector.shape_cast %sub3A_784 : vector<260x346xf32> to vector<1x1x260x346xf32>
    tpu.vector_store %arg2[%swap3A_785, %swap3A_786, %swap3A_787, %swap3A_788], %swap3A_791 {strides = array<i32>} : memref<1x16x260x346xf32, #tpu.memory_space<vmem>>, vector<1x1x260x346xf32>,
    %get3A_792 = arith.constant 0 : index
    %get3A_793 = arith.constant 14 : index
    %get3A_794 = arith.constant 0 : index
    %get3A_795 = arith.constant 0 : index
    %get3A_796 = vector.load %arg1[%get3A_792, %get3A_793, %get3A_794, %get3A_795] : memref<1x16x260x346xf32, #tpu.memory_space<vmem>>, vector<1x1x260x346xf32>
    %get3A_797 = vector.shape_cast %get3A_796 : vector<1x1x260x346xf32> to vector<260x346xf32>
    %mul3A_798 = arith.constant 6.250000e-01 : f32
    %mul3A_799 = vector.broadcast %mul3A_798 : f32 to vector<260x346xf32>
    %mul3A_800 = arith.mulf %get3A_797, %mul3A_799 : vector<260x346xf32>
    %mul3A_801 = arith.constant 8.750000e-01 : f32
    %mul3A_802 = vector.broadcast %mul3A_801 : f32 to vector<260x346xf32>
    %mul3A_803 = arith.mulf %sub3A_784, %mul3A_802 : vector<260x346xf32>
    %add3A_804 = arith.addf %mul3A_800, %mul3A_803 : vector<260x346xf32>
    %swap3A_805 = arith.constant 1 : index
    %swap3A_806 = arith.constant 1 : index
    %swap3A_807 = vector.load %arg3[%swap3A_805, %swap3A_806] : memref<262x348xf32, #tpu.memory_space<vmem>>, vector<260x346xf32>
    tpu.vector_store %arg3[%swap3A_805, %swap3A_806], %add3A_804 {strides = array<i32>} : memref<262x348xf32, #tpu.memory_space<vmem>>, vector<260x346xf32>,
    %get3A_808 = arith.constant 0 : index
    %get3A_809 = arith.constant 0 : index
    %get3A_810 = vector.load %arg3[%get3A_808, %get3A_809] : memref<262x348xf32, #tpu.memory_space<vmem>>, vector<260x346xf32>
    %get3A_811 = arith.constant 0 : index
    %get3A_812 = arith.constant 1 : index
    %get3A_813 = vector.load %arg3[%get3A_811, %get3A_812] : memref<262x348xf32, #tpu.memory_space<vmem>>, vector<260x346xf32>
    %add3A_814 = arith.addf %get3A_810, %get3A_813 : vector<260x346xf32>
    %get3A_815 = arith.constant 0 : index
    %get3A_816 = arith.constant 2 : index
    %get3A_817 = vector.load %arg3[%get3A_815, %get3A_816] : memref<262x348xf32, #tpu.memory_space<vmem>>, vector<260x346xf32>
    %add3A_818 = arith.addf %add3A_814, %get3A_817 : vector<260x346xf32>
    %get3A_819 = arith.constant 1 : index
    %get3A_820 = arith.constant 0 : index
    %get3A_821 = vector.load %arg3[%get3A_819, %get3A_820] : memref<262x348xf32, #tpu.memory_space<vmem>>, vector<260x346xf32>
    %add3A_822 = arith.addf %add3A_818, %get3A_821 : vector<260x346xf32>
    %get3A_823 = arith.constant 1 : index
    %get3A_824 = arith.constant 2 : index
    %get3A_825 = vector.load %arg3[%get3A_823, %get3A_824] : memref<262x348xf32, #tpu.memory_space<vmem>>, vector<260x346xf32>
    %add3A_826 = arith.addf %add3A_822, %get3A_825 : vector<260x346xf32>
    %get3A_827 = arith.constant 2 : index
    %get3A_828 = arith.constant 0 : index
    %get3A_829 = vector.load %arg3[%get3A_827, %get3A_828] : memref<262x348xf32, #tpu.memory_space<vmem>>, vector<260x346xf32>
    %add3A_830 = arith.addf %add3A_826, %get3A_829 : vector<260x346xf32>
    %get3A_831 = arith.constant 2 : index
    %get3A_832 = arith.constant 1 : index
    %get3A_833 = vector.load %arg3[%get3A_831, %get3A_832] : memref<262x348xf32, #tpu.memory_space<vmem>>, vector<260x346xf32>
    %add3A_834 = arith.addf %add3A_830, %get3A_833 : vector<260x346xf32>
    %get3A_835 = arith.constant 2 : index
    %get3A_836 = arith.constant 2 : index
    %get3A_837 = vector.load %arg3[%get3A_835, %get3A_836] : memref<262x348xf32, #tpu.memory_space<vmem>>, vector<260x346xf32>
    %add3A_838 = arith.addf %add3A_834, %get3A_837 : vector<260x346xf32>
    %mul3A_839 = arith.constant 1.250000e-01 : f32
    %mul3A_840 = vector.broadcast %mul3A_839 : f32 to vector<260x346xf32>
    %mul3A_841 = arith.mulf %add3A_838, %mul3A_840 : vector<260x346xf32>
    %sub3A_842 = arith.constant 2.500000e-01 : f32
    %sub3A_843 = vector.broadcast %sub3A_842 : f32 to vector<260x346xf32>
    %sub3A_844 = arith.subf %mul3A_841, %sub3A_843 : vector<260x346xf32>
    %swap3A_845 = arith.constant 0 : index
    %swap3A_846 = arith.constant 14 : index
    %swap3A_847 = arith.constant 0 : index
    %swap3A_848 = arith.constant 0 : index
    %swap3A_849 = vector.load %arg2[%swap3A_845, %swap3A_846, %swap3A_847, %swap3A_848] : memref<1x16x260x346xf32, #tpu.memory_space<vmem>>, vector<1x1x260x346xf32>
    %swap3A_850 = vector.shape_cast %swap3A_849 : vector<1x1x260x346xf32> to vector<260x346xf32>
    %swap3A_851 = vector.shape_cast %sub3A_844 : vector<260x346xf32> to vector<1x1x260x346xf32>
    tpu.vector_store %arg2[%swap3A_845, %swap3A_846, %swap3A_847, %swap3A_848], %swap3A_851 {strides = array<i32>} : memref<1x16x260x346xf32, #tpu.memory_space<vmem>>, vector<1x1x260x346xf32>,
    %get3A_852 = arith.constant 0 : index
    %get3A_853 = arith.constant 15 : index
    %get3A_854 = arith.constant 0 : index
    %get3A_855 = arith.constant 0 : index
    %get3A_856 = vector.load %arg1[%get3A_852, %get3A_853, %get3A_854, %get3A_855] : memref<1x16x260x346xf32, #tpu.memory_space<vmem>>, vector<1x1x260x346xf32>
    %get3A_857 = vector.shape_cast %get3A_856 : vector<1x1x260x346xf32> to vector<260x346xf32>
    %mul3A_858 = arith.constant 5.625000e-01 : f32
    %mul3A_859 = vector.broadcast %mul3A_858 : f32 to vector<260x346xf32>
    %mul3A_860 = arith.mulf %get3A_857, %mul3A_859 : vector<260x346xf32>
    %mul3A_861 = arith.constant 9.375000e-01 : f32
    %mul3A_862 = vector.broadcast %mul3A_861 : f32 to vector<260x346xf32>
    %mul3A_863 = arith.mulf %sub3A_844, %mul3A_862 : vector<260x346xf32>
    %add3A_864 = arith.addf %mul3A_860, %mul3A_863 : vector<260x346xf32>
    %swap3A_865 = arith.constant 1 : index
    %swap3A_866 = arith.constant 1 : index
    %swap3A_867 = vector.load %arg3[%swap3A_865, %swap3A_866] : memref<262x348xf32, #tpu.memory_space<vmem>>, vector<260x346xf32>
    tpu.vector_store %arg3[%swap3A_865, %swap3A_866], %add3A_864 {strides = array<i32>} : memref<262x348xf32, #tpu.memory_space<vmem>>, vector<260x346xf32>,
    %get3A_868 = arith.constant 0 : index
    %get3A_869 = arith.constant 0 : index
    %get3A_870 = vector.load %arg3[%get3A_868, %get3A_869] : memref<262x348xf32, #tpu.memory_space<vmem>>, vector<260x346xf32>
    %get3A_871 = arith.constant 0 : index
    %get3A_872 = arith.constant 1 : index
    %get3A_873 = vector.load %arg3[%get3A_871, %get3A_872] : memref<262x348xf32, #tpu.memory_space<vmem>>, vector<260x346xf32>
    %add3A_874 = arith.addf %get3A_870, %get3A_873 : vector<260x346xf32>
    %get3A_875 = arith.constant 0 : index
    %get3A_876 = arith.constant 2 : index
    %get3A_877 = vector.load %arg3[%get3A_875, %get3A_876] : memref<262x348xf32, #tpu.memory_space<vmem>>, vector<260x346xf32>
    %add3A_878 = arith.addf %add3A_874, %get3A_877 : vector<260x346xf32>
    %get3A_879 = arith.constant 1 : index
    %get3A_880 = arith.constant 0 : index
    %get3A_881 = vector.load %arg3[%get3A_879, %get3A_880] : memref<262x348xf32, #tpu.memory_space<vmem>>, vector<260x346xf32>
    %add3A_882 = arith.addf %add3A_878, %get3A_881 : vector<260x346xf32>
    %get3A_883 = arith.constant 1 : index
    %get3A_884 = arith.constant 2 : index
    %get3A_885 = vector.load %arg3[%get3A_883, %get3A_884] : memref<262x348xf32, #tpu.memory_space<vmem>>, vector<260x346xf32>
    %add3A_886 = arith.addf %add3A_882, %get3A_885 : vector<260x346xf32>
    %get3A_887 = arith.constant 2 : index
    %get3A_888 = arith.constant 0 : index
    %get3A_889 = vector.load %arg3[%get3A_887, %get3A_888] : memref<262x348xf32, #tpu.memory_space<vmem>>, vector<260x346xf32>
    %add3A_890 = arith.addf %add3A_886, %get3A_889 : vector<260x346xf32>
    %get3A_891 = arith.constant 2 : index
    %get3A_892 = arith.constant 1 : index
    %get3A_893 = vector.load %arg3[%get3A_891, %get3A_892] : memref<262x348xf32, #tpu.memory_space<vmem>>, vector<260x346xf32>
    %add3A_894 = arith.addf %add3A_890, %get3A_893 : vector<260x346xf32>
    %get3A_895 = arith.constant 2 : index
    %get3A_896 = arith.constant 2 : index
    %get3A_897 = vector.load %arg3[%get3A_895, %get3A_896] : memref<262x348xf32, #tpu.memory_space<vmem>>, vector<260x346xf32>
    %add3A_898 = arith.addf %add3A_894, %get3A_897 : vector<260x346xf32>
    %mul3A_899 = arith.constant 1.250000e-01 : f32
    %mul3A_900 = vector.broadcast %mul3A_899 : f32 to vector<260x346xf32>
    %mul3A_901 = arith.mulf %add3A_898, %mul3A_900 : vector<260x346xf32>
    %sub3A_902 = arith.constant 2.500000e-01 : f32
    %sub3A_903 = vector.broadcast %sub3A_902 : f32 to vector<260x346xf32>
    %sub3A_904 = arith.subf %mul3A_901, %sub3A_903 : vector<260x346xf32>
    %swap3A_905 = arith.constant 0 : index
    %swap3A_906 = arith.constant 15 : index
    %swap3A_907 = arith.constant 0 : index
    %swap3A_908 = arith.constant 0 : index
    %swap3A_909 = vector.load %arg2[%swap3A_905, %swap3A_906, %swap3A_907, %swap3A_908] : memref<1x16x260x346xf32, #tpu.memory_space<vmem>>, vector<1x1x260x346xf32>
    %swap3A_910 = vector.shape_cast %swap3A_909 : vector<1x1x260x346xf32> to vector<260x346xf32>
    %swap3A_911 = vector.shape_cast %sub3A_904 : vector<260x346xf32> to vector<1x1x260x346xf32>
    tpu.vector_store %arg2[%swap3A_905, %swap3A_906, %swap3A_907, %swap3A_908], %swap3A_911 {strides = array<i32>} : memref<1x16x260x346xf32, #tpu.memory_space<vmem>>, vector<1x1x260x346xf32>,
    return
  }
  func.func @transform_0(%arg0: i32) -> (i32, i32, i32, i32) {
    %c0_i32 = arith.constant 0 : i32
    %c0_i32_0 = arith.constant 0 : i32
    %c0_i32_1 = arith.constant 0 : i32
    %c0_i32_2 = arith.constant 0 : i32
    return %arg0, %c0_i32, %c0_i32_0, %c0_i32_1 : i32, i32, i32, i32
  }
  func.func @transform_1(%arg0: i32) -> (i32, i32, i32, i32) {
    %c0_i32 = arith.constant 0 : i32
    %c0_i32_0 = arith.constant 0 : i32
    %c0_i32_1 = arith.constant 0 : i32
    %c0_i32_2 = arith.constant 0 : i32
    return %arg0, %c0_i32, %c0_i32_0, %c0_i32_1 : i32, i32, i32, i32
  }
}

</mosaic_0001>

<sc_bundles>
// kernel: kernel.5.cloned.1.call-start
scs
__scs_entry_jumppad:
0x0: {  	(pc) =	sbr.rel $0x88, $3  }
0x1: {  	(tag) =	ssettag $0x0;
	lr =	simm.s32 $0x1  }
0x2: {  	[smem:$0x3FA0] =	sst lr;
	_ =	strace $0xD0000000  }
0x3: {  	_ = 	snop  }
0x4: {  	_ = 	snop  }
0x5: {  	_ = 	snop  }
0x6: {  	_ = 	snop  }
0x7: {  	_ = 	snop  }
__scs_overlays_trampoline_lowered:
0x8: {  	[smem:$0x3FAF] =	sst s0  }
0x9: {  	[smem:$0x3FB0] =	sst s1  }
0xa: {  	[smem:$0x3FB1] =	sst s2  }
0xb: {  	[smem:$0x3FB2] =	sst s3  }
0xc: {  	[smem:$0x3FB3] =	sst s4  }
0xd: {  	[smem:$0x3FB4] =	sst s5  }
0xe: {  	[smem:$0x3FB5] =	sst s6  }
0xf: {  	[smem:$0x3FB6] =	sst s7  }
0x10: {  	[smem:$0x3FB7] =	sst s8  }
0x11: {  	[smem:$0x3FB8] =	sst s9;
	s0 =	simm.s32 @!p0 $0x0  }
0x12: {  	s1 =	sld [smem:$0x3F9E];
	s0 =	simm.s32 @p0 $0x1  }
0x13: {  	[smem:$0x3FB9] =	sst s0;
	s0 =	simm.s32 @!p1 $0x0  }
0x14: {  	s2 =	sld [smem:$0x3F9D];
	s0 =	simm.s32 @p1 $0x1  }
0x15: {  	[smem:$0x3FBA] =	sst s0;
	s0 =	simm.s32 @!p2 $0x0  }
0x16: {  	s3 =	sld [smem:$0x3FDB];
	s0 =	simm.s32 @p2 $0x1  }
0x17: {  	s4 =	simm.s32 $0x1BF5;
	[smem:$0x3FBC] =	sst s0  }
0x18: {  	s0 =	sld [smem:$0x3F9F];
	_ =	swait.ge [sflag:s4], $0x0  }
0x19: {  	s7 =	sld [smem:$0x3FA0]  }
0x1a: {  	s8 =	sadd.s32 $0xFFFFE003, lr  }
0x1b: {  	s9 =	sadd.s32 $0xFFFFFEF7, lr;
	s5 =	simm.s32 $0xFFFFFFFF;
	p2 =	slt.u32 s8, $0xFFFFF086  }
0x1c: {  	p1 =	slt.u32 s9, $0xF7A;
	s5 =	simm.s32 @!p2 $0x0  }
0x1d: {  	s5 =	simm.s32 @p1 $0x1;
	p0 =	seq.s32 s7, s2  }
0x1e: {  	s7 =	smul.u32 @!p0 $0xF7A, s2;
	p2 =	seq.s32 @!p0 s5, $0x0  }
0x1f: {  	s9 =	smul.u32 $0xF7A, s1;
	s8 =	simm.s32 @!p0 $0x1BF5;
	p2 =	por !p2, p0  }
0x20: {  	[sflag:s8] =	ssyncset.s32 @!p0 $0xFFFFF086;
	s6 =	sadd.s32 @!p0 s3, s7;
	s7 =	simm.s32 @!p0 $0x108  }
0x21: {  	s3 =	sadd.s32 s3, s9;
	s6 =	sadd.s32 @!p0 $0x88, s6;
	s7 =	simm.s32 @p2 $0x1082  }
0x22: {  	[simem:s7], [sflag:s8] =	dma.local @!p0 [hbm:s6], $0xF7A  }
0x23: {  	s9 =	sor.u32 $0xD0000000, s2;
	s6 =	simm.s32 $0x108;
	_ =	swait.ge @!p0 [sflag:s8], $0x0  }
0x24: {  	s3 =	sadd.s32 $0x88, s3;
	s6 =	simm.s32 @!p1 $0x1082;
	[sflag:s4] =	ssyncset.s32 $0xFFFFF086  }
0x25: {  	[simem:s6], [sflag:s4] =	dma.local [hbm:s3], $0xF7A  }
0x26: {  	[smem:$0x3FA0] =	sst s1;
	(tag) =	ssettag s2;
	_ =	strace s9  }
0x27: {  	s1 =	sld [smem:$0x3FB0]  }
0x28: {  	s2 =	sld [smem:$0x3FB1]  }
0x29: {  	s4 =	sld [smem:$0x3FB3]  }
0x2a: {  	p0 =	seq.s32 s5, $0x0;
	s5 =	sld [smem:$0x3FB4]  }
0x2b: {  	s6 =	sld [smem:$0x3FB5]  }
0x2c: {  	s7 =	sld [smem:$0x3FB6]  }
0x2d: {  	s3 =	simm.s32 $0x108;
	s8 =	sld [smem:$0x3FB7]  }
0x2e: {  	s3 =	simm.s32 @!p0 $0x1082;
	s9 =	sld [smem:$0x3FB8]  }
0x2f: {  	lr =	sadd.s32 s0, s3;
	s0 =	sld [smem:$0x3FAF]  }
0x30: {  	s3 =	sld [smem:$0x3FB2]  }
0x31: {  	[smem:$0x3FBB] =	sst s10  }
0x32: {  	s10 =	sld [smem:$0x3FB9];
	_ =	sdelay $0x3  }
0x33: {  	p0 =	seq.s32 s10, $0x1;
	s10 =	sld [smem:$0x3FBB];
	_ =	sdelay $0x3  }
0x34: {  	[smem:$0x3FBB] =	sst s10  }
0x35: {  	s10 =	sld [smem:$0x3FBA];
	_ =	sdelay $0x3  }
0x36: {  	p1 =	seq.s32 s10, $0x1;
	s10 =	sld [smem:$0x3FBB];
	_ =	sdelay $0x3  }
0x37: {  	[smem:$0x3FBB] =	sst s10  }
0x38: {  	s10 =	sld [smem:$0x3FBC]  }
0x39: {  	_ = 	snop;
	(pc) =	sbr.ind lr, $3  }
0x3a: {  	_ = 	snop  }
0x3b: {  	_ = 	snop  }
0x3c: {  	p2 =	seq.s32 s10, $0x1;
	s10 =	sld [smem:$0x3FBB]  }
0x3d: {  	_ =	shalt  }
0x3e: {  	_ =	shalt  }
0x3f: {  	_ =	shalt  }
0x40: {  	_ =	shalt  }
0x41: {  	_ =	shalt  }
0x42: {  	_ =	shalt  }
0x43: {  	_ =	shalt  }
0x44: {  	_ =	shalt  }
0x45: {  	_ =	shalt  }
0x46: {  	_ =	shalt  }
0x47: {  	_ =	shalt  }
0x48: {  	_ =	shalt  }
0x49: {  	_ =	shalt  }
0x4a: {  	_ =	shalt  }
0x4b: {  	_ =	shalt  }
0x4c: {  	_ =	shalt  }
0x4d: {  	_ =	shalt  }
0x4e: {  	_ =	shalt  }
0x4f: {  	_ =	shalt  }
0x50: {  	_ =	shalt  }
0x51: {  	_ =	shalt  }
0x52: {  	_ =	shalt  }
0x53: {  	_ =	shalt  }
0x54: {  	_ =	shalt  }
0x55: {  	_ =	shalt  }
0x56: {  	_ =	shalt  }
0x57: {  	_ =	shalt  }
0x58: {  	_ =	shalt  }
0x59: {  	_ =	shalt  }
0x5a: {  	_ =	shalt  }
0x5b: {  	_ =	shalt  }
0x5c: {  	_ =	shalt  }
0x5d: {  	_ =	shalt  }
0x5e: {  	_ =	shalt  }
0x5f: {  	_ =	shalt  }
0x60: {  	_ =	shalt  }
0x61: {  	_ =	shalt  }
0x62: {  	_ =	shalt  }
0x63: {  	_ =	shalt  }
0x64: {  	_ =	shalt  }
0x65: {  	_ =	shalt  }
0x66: {  	_ =	shalt  }
0x67: {  	_ =	shalt  }
0x68: {  	_ =	shalt  }
0x69: {  	_ =	shalt  }
0x6a: {  	_ =	shalt  }
0x6b: {  	_ =	shalt  }
0x6c: {  	_ =	shalt  }
0x6d: {  	_ =	shalt  }
0x6e: {  	_ =	shalt  }
0x6f: {  	_ =	shalt  }
0x70: {  	_ =	shalt  }
0x71: {  	_ =	shalt  }
0x72: {  	_ =	shalt  }
0x73: {  	_ =	shalt  }
0x74: {  	_ =	shalt  }
0x75: {  	_ =	shalt  }
0x76: {  	_ =	shalt  }
0x77: {  	_ =	shalt  }
0x78: {  	_ =	shalt  }
0x79: {  	_ =	shalt  }
0x7a: {  	_ =	shalt  }
0x7b: {  	_ =	shalt  }
0x7c: {  	_ =	shalt  }
0x7d: {  	_ =	shalt  }
0x7e: {  	_ =	shalt  }
0x7f: {  	_ =	shalt  }
0x80: {  	_ =	shalt  }
0x81: {  	_ =	shalt  }
0x82: {  	_ =	shalt  }
0x83: {  	_ =	shalt  }
0x84: {  	_ =	shalt  }
0x85: {  	_ =	shalt  }
0x86: {  	_ =	shalt  }
0x87: {  	_ =	shalt  }
.Lfunc_end0:
.L_simem_size_0:
called_computation_lowered:
.L_overlay_start_0:
0x88: {  	s2 =	sld [smem:$0x3FD9]  }
0x89: {  	s3 =	sld [smem:$0x3FFE];
	_ =	sdelay $0x1  }
0x8a: {  	s1 =	srdreg.scid  }
0x8b: {  	s0 =	sand.u32 $0x1, s1  }
0x8c: {  	s17 =	sshll.u32 s0, $0xA;
	s2 =	sadd.s32 s3, s2  }
0x8d: {  	s2 =	sadd.s32 s2, s17  }
0x8e: {  	[smem:$0x3FC7] =	sst s2  }
0x8f: {  	_ = 	snop  }
0x90: {  	s2 =	sld [smem:$0x3FD0];
	(tm) =	ssettm $0x1  }
0x91: {  	s18 =	sld [smem:$0x3FFB];
	_ =	sdelay $0x3  }
0x92: {  	_ =	strace s18  }
0x93: {  	s3 =	sld [smem:$0x3FFC];
	_ =	sdelay $0x3  }
0x94: {  	_ =	strace s3  }
0x95: {  	s3 =	sld [smem:$0x3FFD];
	_ =	sdelay $0x3  }
0x96: {  	_ =	strace s3  }
0x97: {  	_ =	strace $0x8FFFFFFF  }
0x98: {  	s19 =	sld [smem:$0x3FDB];
	_ =	sdelay $0x1  }
0x99: {  	s4 =	simm.s32 $_scs_section_size  }
0x9a: {  	s5 =	simm.s32 $_size__tile_overlayer_lowered;
	s6 =	simm.s32 $_tile_overlayer_lowered  }
0x9b: {  	s22 =	simm.s32 $0x1BFF;
	s21 =	sshll.u32 s6, $0x1;
	s3 =	sadd.s32 s4, s19  }
0x9c: {  	s7 =	simm.s32 $0x0;
	s20 =	sshll.u32 s5, $0x1;
	s5 =	sadd.s32 s21, s3  }
0x9d: {  	[timem:s7], [sflag:s22] =	dma.local [hbm:s5], s20  }
0x9e: {  	_ =	swait.ge [sflag:s22], s20  }
0x9f: {  	s4 =	ssub.s32 $0x0, s20;
	[sflag:s22] =	ssyncset.done $0x0  }
0xa0: {  	[sflag:s22] =	ssyncadd.s32 s4;
	_ =	sdelay $0x1  }
0xa1: {  	s23 =	simm.s32 $0x1B8B  }
0xa2: {  	_ =	swait.ge [sflag:s23], $0x1  }
0xa3: {  	[sflag:s23] =	ssyncset.done $0x0  }
0xa4: {  	s25 =	simm.s32 $0x1B8E;
	s24 =	sld [smem:$0x3FFE];
	[sflag:s23] =	ssyncadd.s32 $0xFFFFFFFF  }
0xa5: {  	s26 =	simm.s32 $execute0_lowered;
	[smem:$0x3FD2] =	sst s25  }
0xa6: {  	s5 =	sshll.u32 s26, $0x1;
	_ =	strace $0x80000046;
	[dreg:$0x1] =	wrdreg $0xFFFFFFFF  }
0xa7: {  	s28 =	simm.s32 $_size_execute0_lowered;
	s3 =	sadd.s32 s3, s5;
	[dreg:$0x0] =	wrdreg $0x0  }
0xa8: {  	s5 =	sshll.u32 s28, $0x1;
	[dreg:$0x2] =	wrdreg s3  }
0xa9: {  	[dreg:$0x3] =	wrdreg s5  }
0xaa: {  	[dreg:$0x4] =	wrdreg $0xC0  }
0xab: {  	_ =	task [dreg:s7], $0x5FFFF  }
0xac: {  	[dreg:$0x1] =	wrdreg $0xFFFFFFFF  }
0xad: {  	[dreg:$0x0] =	wrdreg $0x60  }
0xae: {  	[dreg:$0x2] =	wrdreg s24  }
0xaf: {  	[dreg:$0x3] =	wrdreg s2  }
0xb0: {  	[dreg:$0x4] =	wrdreg $0x9  }
0xb1: {  	_ =	task.clear_ibuf [dreg:s7], $0x5FFFF;
	_ =	strace $0x90000046  }
0xb2: {  	s29 =	simm.s32 $0x9;
	_ =	strace $0x80000048  }
0xb3: {  	_ =	swait.ge [sflag:s29], $0x1  }
0xb4: {  	[sflag:s29] =	ssyncadd.s32 $0xFFFFFFFF  }
0xb5: {  	_ =	strace $0x90000048  }
0xb6: {  	_ =	sfence  }
0xb7: {  	s30 =	sld [smem:$0x0];
	_ =	sdelay $0x2  }
0xb8: {  	s31 =	sshll.u32 s1, $0xD;
	s1 =	sshrl.u32 s1, $0x2  }
0xb9: {  	s3 =	sand.u32 $0x4000, s31;
	s1 =	sadd.s32 s1, s30  }
0xba: {  	s0 =	sor.u32 s3, s0;
	s1 =	sshll.u32 s1, $0x11  }
0xbb: {  	s0 =	sor.u32 s1, s0  }
0xbc: {  	s0 =	sadd.s32 $0x8F2B, s0  }
0xbd: {  	[sflag:s0] =	ssyncadd.remote.s32 $0x1  }
0xbe: {  	_ =	sfence.sel $0xFFFF  }
0xbf: {  	[dreg:$0x0] =	wrdreg $0xFFFFFFFF;
	(pc) =	sbr.abs _section_cstart, $3  }
0xc0: {  	[dreg:$0x1] =	wrdreg $0xFFFFFFFF  }
0xc1: {  	_ =	task.clear_ibuf [dreg:s7], $0x2FFFF;
	_ =	strace $0x9FFFFFFF  }
0xc2: {  	(tm) =	ssettm $0x7FFFFFFF  }
0xc3: {  	_ =	shalt  }
tec
execute0_lowered:
.L_overlay_start_1:
0x0: {  	(tag) =	ssettag $0x1  }
0x1: {  	s1 =	rddreg [dreg:$0x0]  }
0x2: {  	s12 =	rddreg [dreg:$0x1]  }
0x3: {  	s0 =	rddreg [dreg:$0x2]  }
0x4: {  	s2 =	simm.s32 $0x0;
	s6 =	srdreg.scid;
	s3 =	stileid.u32  }
0x5: {  	s15 =	simm.s32 $0x1;
	s16 =	simm.s32 $0x15F80;
	s17 =	simm.s32 $0x18700  }
0x6: {  	s22 =	simm.s32 $0x0;
	[smem:$0x7FF] =	sst s2;
	s4 =	sadd.s32 $0x1EA00, s1  }
0x7: {  	s5 =	sadd.s32 $0x3D400, s1;
	s7 =	sand.u32 $0x1, s6;
	s6 =	sadd.s32 $0x5BE00, s1  }
0x8: {  	s9 =	sshll.u32 s3, $0x1;
	s10 =	sadd.s32 $0x5C000, s1;
	s25 =	sshrl.u32 s3, $0x2  }
0x9: {  	s18 =	sshrl.u32 s3, $0x3;
	p0 =	sgt.u32 s3, $0x1;
	_ =	strace $0x80000047  }
0xa: {  	s8 =	ssub.s32 $0x2, s7;
	s21 =	sor.u32 s7, s9;
	s28 =	smul.u32 $0xAFC00, s25  }
0xb: {  	s7 =	smul.u32 $0x3D090, s18;
	v0 =	vmov s18;
	s18 =	simm.s32 $0x1AE80;
	s11 =	sshrl.u32 s8, $0x1  }
0xc: {  	s26 =	sor.u32 $0x20, s21;
	s29 =	sshll.u32 s21, $0x7;
	s19 =	sand.u32 $0xF, s21  }
0xd: {  	s31 =	sshll.u32 s21, $0x4;
	s13 =	ssub.s32 s8, s11;
	s30 =	sshrl.u32 s26, $0x3  }
0xe: {  	s14 =	sand.u32 $0x380, s29;
	s20 =	sshrl.u32 s26, $0x4;
	s11 =	smul.u32 $0xAFC00, s30  }
.Ltmp0:
0xf: {  	s12 =	sadd.s32 s12, s31;
	s9 =	sor.u32 s28, s14;
	(pc) =	sbr.rel .LBB2_1-.Ltmp0, $4  }
0x10: {  	v1 =	vmov s19;
	s19 =	simm.s32 $0x80;
	s13 =	smax.u32 s13, $0x1;
	s9 =	sshrl.u32 s9, $0x3  }
0x11: {  	s11 =	sor.u32 s14, s11;
	s8 =	sadd.s32 s10, s9;
	s9 =	smul.u32 $0x3D090, s20  }
0x12: {  	v2 =	vmov s20;
	s14 =	simm.s32 $0x1D600;
	s20 =	simm.s32 $0x400;
	s11 =	sshrl.u32 s11, $0x3  }
0x13: {  	v4 =	vimm.f32 $0.0e+00;
	v5 =	vimm.f32 $1.000000000e+00;
	v3 =	vmov s21;
	s10 =	sadd.s32 s10, s11;
	s11 =	smul.u32 $0x3D090, s21;
	s21 =	simm.s32 $0x200  }
.LBB2_21:
0x14: {  	s22 =	sadd.s32 $0x1, s22  }
0x15: {  	p1 =	sne.s32 s22, s13  }
.Ltmp1:
0x16: {  	_ = 	snop;
	(pc) =	sbr.rel @!p1 .LBB2_22-.Ltmp1, $1  }
0x17: {  	_ =	sdelay $0x3  }
.LBB2_1:
0x18: {  	[tilespmem:s14], [sflag:$0x1] =	stream.linear.gather [hbm4b:s6+s2], $0x80, $0x38;
	[tilespmem:$0x1D680] =	vst v63  }
0x19: {  	_ =	swait.ge [sflag:s15], $0x80  }
0x1a: {  	[sflag:s15] =	ssyncset.done $0x0  }
0x1b: {  	s23 =	simm.s32 $0x40;
	s24 =	simm.s32 $0x0;
	[sflag:s15] =	ssyncadd.s32 $0xFFFFFF80  }
.LBB2_2:
0x1c: {  	p1 =	sne.s32 s23, $0x57DC0;
	[tilespmem:s24+$0x0] =	vst v4;
	s24 =	smov.u32 s23;
	s23 =	sadd.s32 $0x40, s23  }
.Ltmp2:
0x1d: {  	(pc) =	sbr.rel @p1 .LBB2_2-.Ltmp2, $2  }
0x1e: {  	_ =	sdelay $0x2  }
0x1f: {  	s24 =	sshra.s32 s24, $0x2  }
0x20: {  	_ =	sdelay $0x2  }
0x21: {  	[tilespmem:s24+$0x0] =	vst v4  }
0x22: {  	v6 =	vld.idx.msk [tilespmem:v0+s14+$0x0], $0xffff;
	_ =	sdelay $0x4  }
0x23: {  	(erf) = vrcp.f32 v6;
	_ =	sdelay $0x8  }
0x24: {  	s23 =	simm.s32 $0x0;
	s24 =	simm.s32 $0x0;
	v6 =	vpop (erf)  }
.LBB2_4:
0x25: {  	s25 =	smul.u32 $0x2710, s24;
	_ =	sdelay $0x1  }
0x26: {  	s25 =	sadd.s32 s7, s25  }
0x27: {  	s25 =	sshrl.u32 s25, $0x3  }
0x28: {  	s26 =	sadd.s32 s4, s25  }
0x29: {  	[tilespmem:s16], [sflag:$0x1] =	stream.linear.gather [hbm4b:s26+s23], $0x2710, $0x38;
	[tilespmem:$0x1D680] =	vst v63  }
0x2a: {  	_ =	swait.ge [sflag:s15], $0x2710  }
0x2b: {  	[sflag:s15] =	ssyncset.done $0x0  }
0x2c: {  	s31 =	sadd.s32 s1, s25;
	[sflag:s15] =	ssyncadd.s32 $0xFFFFD8F0  }
0x2d: {  	[tilespmem:s17], [sflag:$0x1] =	stream.linear.gather [hbm4b:s31+s23], $0x2710, $0x38;
	[tilespmem:$0x1D680] =	vst v63  }
0x2e: {  	_ =	swait.ge [sflag:s15], $0x2710  }
0x2f: {  	[sflag:s15] =	ssyncset.done $0x0  }
0x30: {  	s25 =	sadd.s32 s5, s25;
	[sflag:s15] =	ssyncadd.s32 $0xFFFFD8F0  }
0x31: {  	[tilespmem:s18], [sflag:$0x1] =	stream.linear.gather [hbm4b:s25+s23], $0x2710, $0x38;
	[tilespmem:$0x1D680] =	vst v63  }
0x32: {  	_ =	swait.ge [sflag:s15], $0x2710  }
0x33: {  	[sflag:s15] =	ssyncset.done $0x0  }
0x34: {  	s26 =	simm.s32 $0x0;
	s25 =	simm.s32 $0x40;
	[sflag:s15] =	ssyncadd.s32 $0xFFFFD8F0  }
.LBB2_5:
0x35: {  	p1 =	sne.s32 s25, $0x9C00;
	v7 =	vld [tilespmem:s26+$0x1AE80];
	_ =	sdelay $0x4  }
0x36: {  	v7 =	vmul.f32 v7, v6;
	v8 =	vld [tilespmem:s26+$0x18700];
	_ =	sdelay $0x1  }
0x37: {  	v9 =	vld [tilespmem:s26+$0x15F80];
	v7 =	vmul.f32 $1.600000000e+01, v7;
	_ =	sdelay $0x1  }
0x38: {  	v7 =	vtrunc.f32 v7  }
0x39: {  	v8 =	vtrunc.f32 v8;
	v7 =	vcvt.f32.s32 v7  }
0x3a: {  	v8 =	vcvt.f32.s32 v8  }
0x3b: {  	v9 =	vtrunc.f32 v9;
	vm0 =	vlt.s32 v7, $0xF  }
0x3c: {  	v9 =	vcvt.f32.s32 v9;
	v7 =	vnsel vm0, $0xF, v7;
	v8 =	vmul.u32 $0x15A, v8  }
0x3d: {  	vm0 =	veq.s32 v7, v1  }
0x3e: {  	v7 =	vadd.s32 v9, v8  }
.Ltmp3:
0x3f: {  	(pc) =	sbr.rel @p1 .LBB2_5-.Ltmp3, $2  }
0x40: {  	_ =	sdelay $0x2  }
0x41: {  	s26 =	sshra.s32 s25, $0x2;
	s25 =	sadd.s32 $0x40, s25;
	[tilespmem:v7+s2+$0x0] =	vst.idx.msk vm0, v5  }
0x42: {  	v7 =	vld [tilespmem:s26+$0x1AE80];
	_ =	sdelay $0x4  }
0x43: {  	v8 =	vld [tilespmem:s26+$0x18700];
	v7 =	vmul.f32 v7, v6;
	_ =	sdelay $0x1  }
0x44: {  	v9 =	vld [tilespmem:s26+$0x15F80];
	v7 =	vmul.f32 $1.600000000e+01, v7;
	_ =	sdelay $0x1  }
0x45: {  	v7 =	vtrunc.f32 v7  }
0x46: {  	v8 =	vtrunc.f32 v8;
	v7 =	vcvt.f32.s32 v7  }
0x47: {  	v8 =	vcvt.f32.s32 v8  }
0x48: {  	v9 =	vtrunc.f32 v9;
	vm0 =	vlt.s32 v7, $0xF  }
0x49: {  	v9 =	vcvt.f32.s32 v9;
	v8 =	vmul.u32 $0x15A, v8;
	v7 =	vnsel vm0, $0xF, v7  }
0x4a: {  	s24 =	sadd.s32 $0x1, s24;
	vm0 =	veq.s32 v7, v1  }
0x4b: {  	p1 =	sne.s32 s24, $0x19;
	v7 =	vadd.s32 v9, v8  }
.Ltmp4:
0x4c: {  	_ = 	snop;
	(pc) =	sbr.rel @p1 .LBB2_4-.Ltmp4, $2  }
0x4d: {  	_ =	sdelay $0x2  }
0x4e: {  	[tilespmem:v7+s2+$0x0] =	vst.idx.msk vm0, v5  }
0x4f: {  	s23 =	simm.s32 $0x0  }
0x50: {  	[hbm4b:s8+s19] =	stream.strided.scatter [tilespmem:s23], [sflag:$0x1], $0x15F80, s20, s19, $0x38;
	[tilespmem:$0x1D680] =	vst v63  }
0x51: {  	_ =	swait.ge [sflag:s15], $0x15F80  }
0x52: {  	[sflag:s15] =	ssyncset.done $0x0  }
0x53: {  	s24 =	simm.s32 $0x0;
	s23 =	simm.s32 $0x40;
	[sflag:s15] =	ssyncadd.s32 $0xFFFEA080  }
.LBB2_8:
0x54: {  	p1 =	sne.s32 s23, $0x57DC0;
	[tilespmem:s24+$0x0] =	vst v4;
	s24 =	smov.u32 s23;
	s23 =	sadd.s32 $0x40, s23  }
.Ltmp5:
0x55: {  	(pc) =	sbr.rel @p1 .LBB2_8-.Ltmp5, $2  }
0x56: {  	_ =	sdelay $0x2  }
0x57: {  	s24 =	sshra.s32 s24, $0x2  }
0x58: {  	_ =	sdelay $0x2  }
0x59: {  	[tilespmem:s24+$0x0] =	vst v4  }
0x5a: {  	v6 =	vld.idx.msk [tilespmem:v2+s14+$0x0], $0xffff;
	_ =	sdelay $0x4  }
0x5b: {  	(erf) = vrcp.f32 v6;
	_ =	sdelay $0x8  }
0x5c: {  	s23 =	simm.s32 $0x0;
	s24 =	simm.s32 $0x0;
	v6 =	vpop (erf)  }
.LBB2_10:
0x5d: {  	s25 =	smul.u32 $0x2710, s24;
	_ =	sdelay $0x1  }
0x5e: {  	s25 =	sadd.s32 s9, s25  }
0x5f: {  	s25 =	sshrl.u32 s25, $0x3  }
0x60: {  	s26 =	sadd.s32 s4, s25  }
0x61: {  	[tilespmem:s16], [sflag:$0x1] =	stream.linear.gather [hbm4b:s26+s23], $0x2710, $0x38;
	[tilespmem:$0x1D680] =	vst v63  }
0x62: {  	_ =	swait.ge [sflag:s15], $0x2710  }
0x63: {  	[sflag:s15] =	ssyncset.done $0x0  }
0x64: {  	s31 =	sadd.s32 s1, s25;
	[sflag:s15] =	ssyncadd.s32 $0xFFFFD8F0  }
0x65: {  	[tilespmem:s17], [sflag:$0x1] =	stream.linear.gather [hbm4b:s31+s23], $0x2710, $0x38;
	[tilespmem:$0x1D680] =	vst v63  }
0x66: {  	_ =	swait.ge [sflag:s15], $0x2710  }
0x67: {  	[sflag:s15] =	ssyncset.done $0x0  }
0x68: {  	s25 =	sadd.s32 s5, s25;
	[sflag:s15] =	ssyncadd.s32 $0xFFFFD8F0  }
0x69: {  	[tilespmem:s18], [sflag:$0x1] =	stream.linear.gather [hbm4b:s25+s23], $0x2710, $0x38;
	[tilespmem:$0x1D680] =	vst v63  }
0x6a: {  	_ =	swait.ge [sflag:s15], $0x2710  }
0x6b: {  	[sflag:s15] =	ssyncset.done $0x0  }
0x6c: {  	s26 =	simm.s32 $0x0;
	s25 =	simm.s32 $0x40;
	[sflag:s15] =	ssyncadd.s32 $0xFFFFD8F0  }
.LBB2_11:
0x6d: {  	p1 =	sne.s32 s25, $0x9C00;
	v7 =	vld [tilespmem:s26+$0x1AE80];
	_ =	sdelay $0x4  }
0x6e: {  	v7 =	vmul.f32 v7, v6;
	v8 =	vld [tilespmem:s26+$0x18700];
	_ =	sdelay $0x1  }
0x6f: {  	v9 =	vld [tilespmem:s26+$0x15F80];
	v7 =	vmul.f32 $1.600000000e+01, v7;
	_ =	sdelay $0x1  }
0x70: {  	v7 =	vtrunc.f32 v7  }
0x71: {  	v8 =	vtrunc.f32 v8;
	v7 =	vcvt.f32.s32 v7  }
0x72: {  	v8 =	vcvt.f32.s32 v8  }
0x73: {  	v9 =	vtrunc.f32 v9;
	vm0 =	vlt.s32 v7, $0xF  }
0x74: {  	v9 =	vcvt.f32.s32 v9;
	v7 =	vnsel vm0, $0xF, v7;
	v8 =	vmul.u32 $0x15A, v8  }
0x75: {  	vm0 =	veq.s32 v7, v1  }
0x76: {  	v7 =	vadd.s32 v9, v8  }
.Ltmp6:
0x77: {  	(pc) =	sbr.rel @p1 .LBB2_11-.Ltmp6, $2  }
0x78: {  	_ =	sdelay $0x2  }
0x79: {  	s26 =	sshra.s32 s25, $0x2;
	s25 =	sadd.s32 $0x40, s25;
	[tilespmem:v7+s2+$0x0] =	vst.idx.msk vm0, v5  }
0x7a: {  	v7 =	vld [tilespmem:s26+$0x1AE80];
	_ =	sdelay $0x4  }
0x7b: {  	v8 =	vld [tilespmem:s26+$0x18700];
	v7 =	vmul.f32 v7, v6;
	_ =	sdelay $0x1  }
0x7c: {  	v9 =	vld [tilespmem:s26+$0x15F80];
	v7 =	vmul.f32 $1.600000000e+01, v7;
	_ =	sdelay $0x1  }
0x7d: {  	v7 =	vtrunc.f32 v7  }
0x7e: {  	v8 =	vtrunc.f32 v8;
	v7 =	vcvt.f32.s32 v7  }
0x7f: {  	v8 =	vcvt.f32.s32 v8  }
0x80: {  	v9 =	vtrunc.f32 v9;
	vm0 =	vlt.s32 v7, $0xF  }
0x81: {  	v9 =	vcvt.f32.s32 v9;
	v8 =	vmul.u32 $0x15A, v8;
	v7 =	vnsel vm0, $0xF, v7  }
0x82: {  	s24 =	sadd.s32 $0x1, s24;
	vm0 =	veq.s32 v7, v1  }
0x83: {  	p1 =	sne.s32 s24, $0x19;
	v7 =	vadd.s32 v9, v8  }
.Ltmp7:
0x84: {  	_ = 	snop;
	(pc) =	sbr.rel @p1 .LBB2_10-.Ltmp7, $2  }
0x85: {  	_ =	sdelay $0x2  }
0x86: {  	[tilespmem:v7+s2+$0x0] =	vst.idx.msk vm0, v5  }
.Ltmp8:
0x87: {  	s23 =	simm.s32 $0x0;
	(pc) =	sbr.rel @p0 .LBB2_21-.Ltmp8, $4  }
0x88: {  	[hbm4b:s10+s19] =	stream.strided.scatter [tilespmem:s23], [sflag:$0x1], $0x15F80, s20, s19, $0x38;
	[tilespmem:$0x1D680] =	vst v63  }
0x89: {  	_ =	swait.ge [sflag:s15], $0x15F80  }
0x8a: {  	[sflag:s15] =	ssyncset.done $0x0  }
0x8b: {  	[sflag:s15] =	ssyncadd.s32 $0xFFFEA080  }
0x8c: {  	s23 =	simm.s32 $0x40;
	s24 =	simm.s32 $0x0  }
.LBB2_15:
0x8d: {  	p1 =	sne.s32 s23, $0x57DC0;
	[tilespmem:s24+$0x0] =	vst v4;
	s24 =	smov.u32 s23;
	s23 =	sadd.s32 $0x40, s23  }
.Ltmp9:
0x8e: {  	(pc) =	sbr.rel @p1 .LBB2_15-.Ltmp9, $2  }
0x8f: {  	_ =	sdelay $0x2  }
0x90: {  	s24 =	sshra.s32 s24, $0x2  }
0x91: {  	_ =	sdelay $0x2  }
0x92: {  	[tilespmem:s24+$0x0] =	vst v4  }
0x93: {  	v6 =	vld.idx.msk [tilespmem:v3+s14+$0x0], $0xffff;
	_ =	sdelay $0x4  }
0x94: {  	(erf) = vrcp.f32 v6;
	_ =	sdelay $0x8  }
0x95: {  	s23 =	simm.s32 $0x0;
	s24 =	simm.s32 $0x0;
	v6 =	vpop (erf)  }
.LBB2_17:
0x96: {  	s25 =	smul.u32 $0x2710, s24;
	_ =	sdelay $0x1  }
0x97: {  	s25 =	sadd.s32 s11, s25  }
0x98: {  	s25 =	sshrl.u32 s25, $0x3  }
0x99: {  	s26 =	sadd.s32 s4, s25  }
0x9a: {  	[tilespmem:s16], [sflag:$0x1] =	stream.linear.gather [hbm4b:s26+s23], $0x2710, $0x38;
	[tilespmem:$0x1D680] =	vst v63  }
0x9b: {  	_ =	swait.ge [sflag:s15], $0x2710  }
0x9c: {  	[sflag:s15] =	ssyncset.done $0x0  }
0x9d: {  	s31 =	sadd.s32 s1, s25;
	[sflag:s15] =	ssyncadd.s32 $0xFFFFD8F0  }
0x9e: {  	[tilespmem:s17], [sflag:$0x1] =	stream.linear.gather [hbm4b:s31+s23], $0x2710, $0x38;
	[tilespmem:$0x1D680] =	vst v63  }
0x9f: {  	_ =	swait.ge [sflag:s15], $0x2710  }
0xa0: {  	[sflag:s15] =	ssyncset.done $0x0  }
0xa1: {  	s25 =	sadd.s32 s5, s25;
	[sflag:s15] =	ssyncadd.s32 $0xFFFFD8F0  }
0xa2: {  	[tilespmem:s18], [sflag:$0x1] =	stream.linear.gather [hbm4b:s25+s23], $0x2710, $0x38;
	[tilespmem:$0x1D680] =	vst v63  }
0xa3: {  	_ =	swait.ge [sflag:s15], $0x2710  }
0xa4: {  	[sflag:s15] =	ssyncset.done $0x0  }
0xa5: {  	s26 =	simm.s32 $0x0;
	[sflag:s15] =	ssyncadd.s32 $0xFFFFD8F0  }
0xa6: {  	v8 =	vld [tilespmem:s26+$0x18700]  }
0xa7: {  	s25 =	simm.s32 $0x40;
	v7 =	vld [tilespmem:s26+$0x15F80]  }
.LBB2_18:
0xa8: {  	p1 =	sne.s32 s25, $0x9C00;
	v9 =	vld [tilespmem:s26+$0x1AE80];
	_ =	sdelay $0x2  }
0xa9: {  	v8 =	vtrunc.f32 v8  }
0xaa: {  	v8 =	vcvt.f32.s32 v8  }
0xab: {  	v7 =	vtrunc.f32 v7  }
0xac: {  	v7 =	vcvt.f32.s32 v7;
	v10 =	vshra.s32 v8, $0x1  }
0xad: {  	v10 =	vmul.u32 $0xAD, v10  }
0xae: {  	v11 =	vshra.s32 v7, $0x1  }
0xaf: {  	v7 =	vshll.u32 v7, $0x1;
	v10 =	vadd.s32 v11, v10  }
0xb0: {  	v8 =	vshll.u32 v8, $0x1;
	v7 =	vand.u32 $0x2, v7;
	v11 =	vadd.s32 $0x57E0, v10  }
0xb1: {  	v8 =	vand.u32 $0x2, v8;
	v7 =	vsub.s32 $0x1, v7;
	v12 =	vadd.s32 $0xAFC0, v10  }
0xb2: {  	v8 =	vsub.s32 $0x1, v8;
	v7 =	vcvt.s32.f32 v7;
	v13 =	vadd.s32 $0x107A0, v10  }
0xb3: {  	v8 =	vcvt.s32.f32 v8  }
0xb4: {  	v9 =	vmul.f32 v9, v6;
	[tilespmem:v10+s2+$0x0] =	vst.idx.add.f32.msk $0xffff, v7  }
.Ltmp10:
0xb5: {  	[tilespmem:v11+s2+$0x0] =	vst.idx.add.f32.msk $0xffff, v8;
	(pc) =	sbr.rel @p1 .LBB2_18-.Ltmp10, $4  }
0xb6: {  	[tilespmem:v12+s2+$0x0] =	vst.idx.add.f32.msk $0xffff, v9  }
0xb7: {  	s26 =	sshra.s32 s25, $0x2;
	[tilespmem:v13+s2+$0x0] =	vst.idx.add.f32.msk $0xffff, v5  }
0xb8: {  	v8 =	vld [tilespmem:s26+$0x18700]  }
0xb9: {  	s25 =	sadd.s32 $0x40, s25;
	v7 =	vld [tilespmem:s26+$0x15F80]  }
0xba: {  	_ =	sdelay $0x2  }
0xbb: {  	v8 =	vtrunc.f32 v8  }
0xbc: {  	v8 =	vcvt.f32.s32 v8  }
0xbd: {  	v7 =	vtrunc.f32 v7  }
0xbe: {  	v7 =	vcvt.f32.s32 v7;
	v9 =	vshra.s32 v8, $0x1  }
0xbf: {  	v9 =	vmul.u32 $0xAD, v9  }
0xc0: {  	v10 =	vshra.s32 v7, $0x1  }
0xc1: {  	v11 =	vld [tilespmem:s26+$0x1AE80];
	v7 =	vshll.u32 v7, $0x1;
	v9 =	vadd.s32 v10, v9  }
0xc2: {  	v8 =	vshll.u32 v8, $0x1;
	v7 =	vand.u32 $0x2, v7;
	v10 =	vadd.s32 $0x57E0, v9  }
0xc3: {  	s24 =	sadd.s32 $0x1, s24;
	v8 =	vand.u32 $0x2, v8;
	v7 =	vsub.s32 $0x1, v7;
	v12 =	vadd.s32 $0xAFC0, v9  }
0xc4: {  	p1 =	sne.s32 s24, $0x19;
	v8 =	vsub.s32 $0x1, v8;
	v7 =	vcvt.s32.f32 v7;
	v13 =	vadd.s32 $0x107A0, v9  }
.Ltmp11:
0xc5: {  	v8 =	vcvt.s32.f32 v8;
	(pc) =	sbr.rel @p1 .LBB2_17-.Ltmp11, $4  }
0xc6: {  	v11 =	vmul.f32 v11, v6;
	[tilespmem:v9+s2+$0x0] =	vst.idx.add.f32.msk $0xffff, v7  }
0xc7: {  	[tilespmem:v10+s2+$0x0] =	vst.idx.add.f32.msk $0xffff, v8  }
0xc8: {  	[tilespmem:v12+s2+$0x0] =	vst.idx.add.f32.msk $0xffff, v11  }
0xc9: {  	[tilespmem:v13+s2+$0x0] =	vst.idx.add.f32.msk $0xffff, v5  }
.Ltmp12:
0xca: {  	(pc) =	sbr.rel .LBB2_21-.Ltmp12, $4  }
0xcb: {  	[hbm4b:s12+s19] =	stream.strided.scatter [tilespmem:s2], [sflag:$0x1], $0x15F80, s21, s19, $0x38;
	[tilespmem:$0x1D680] =	vst v63  }
0xcc: {  	_ =	swait.ge [sflag:s15], $0x15F80  }
0xcd: {  	[sflag:s15] =	ssyncset.done $0x0  }
0xce: {  	[sflag:s15] =	ssyncadd.s32 $0xFFFEA080  }
.LBB2_22:
0xcf: {  	_ =	sfence.sel $0x180000  }
0xd0: {  	[bflag:$0x0] =	sbarrier.arrive $0xFFFF  }
0xd1: {  	p0 =	sne.s32 s3, $0x0;
	_ =	strace $0x90000047  }
0xd2: {  	s0 =	sadd.s32 @!p0 $0x100000, s0;
	[bflag:$0x2] =	sbarrier.arrive $0xFFFF  }
0xd3: {  	[sflag:s0] =	ssyncadd.tile.s32 @!p0 $0x1;
	_ =	shalt  }
.Lfunc_end2:
_tile_overlayer_lowered:
.L_overlay_start_2:
0xd4: {  	(tag) =	ssettag $0x2  }
0xd5: {  	s0 =	rddreg [dreg:$0x0];
	s2 =	stileid.u32  }
0xd6: {  	s1 =	rddreg [dreg:$0x1];
	p0 =	sne.s32 s2, $0x0  }
0xd7: {  	s3 =	rddreg [dreg:$0x2];
	[bflag:$0x3] =	sbarrier.arrive $0xFFFF;
	s2 =	simm.s32 @!p0 $0x1C01  }
0xd8: {  	[timem:s3], [sflag:s2] =	dma.local @!p0 [hbm:s0], s1  }
0xd9: {  	s0 =	simm.s32 @!p0 $0x1  }
0xda: {  	_ =	swait.ge @!p0 [sflag:s0], s1  }
0xdb: {  	s1 =	ssub.s32 @!p0 $0x0, s1;
	[sflag:s0] =	ssyncset.done @!p0 $0x0  }
0xdc: {  	[sflag:s0] =	ssyncadd.s32 @!p0 s1  }
0xdd: {  	[bflag:$0x3] =	sbarrier.arrive $0xFFFF  }
0xde: {  	_ =	shalt  }

</sc_bundles>
